<compile_context>
chip_gen: v7x
topology: tpu7x:2x2x1
jax: 0.10.2.dev20260603
libtpu: 0.0.44.dev20260713+nightly
codegen_flags: <defaults>
</compile_context>

<pallas_src>
import functools

import jax
import jax.numpy as jnp
from jax import lax
from jax.experimental import pallas as pl
from jax.experimental.pallas import tpu as pltpu
from jax.experimental.pallas import tpu_sc as plsc

_B = 16384
_D = 64
_V = 100000
_NC = 2
_NS = 16
_NW = _NC * _NS
_DPW = _D // _NW
_Q = 4096
_NQ = _B // _Q
_LANES = 16
_UNROLL = 8

_mesh = plsc.VectorSubcoreMesh(core_axis_name="c", subcore_axis_name="s")


@functools.partial(
    pl.kernel,
    out_type=jax.ShapeDtypeStruct((_NW, _LANES), jnp.float32),
    mesh=_mesh,
    compiler_params=pltpu.CompilerParams(needs_layout_passes=False),
    scratch_types=[
        pltpu.VMEM((_V,), jnp.float32),
        pltpu.VMEM((_B,), jnp.int32),
        pltpu.VMEM((2, _Q), jnp.float32),
        pltpu.VMEM((_LANES,), jnp.float32),
        pltpu.SemaphoreType.DMA,
        pltpu.SemaphoreType.DMA,
        pltpu.SemaphoreType.DMA,
    ],
)
def _center_loss_partials(feat_hbm, lab_hbm, cent_hbm, out_hbm,
                          row_v, lab_v, feat_v, acc_v, rsem, lsem, fsem):
    wid = lax.axis_index("s") * _NC + lax.axis_index("c")

    lcopy = pltpu.async_copy(lab_hbm, lab_v, lsem)
    rcopy = pltpu.async_copy(cent_hbm.at[wid * _DPW], row_v, rsem)
    lcopy.wait()

    accs = [jnp.zeros((_LANES,), jnp.float32) for _ in range(4)]
    for k in range(_DPW):
        d = wid * _DPW + k
        fcopy = pltpu.async_copy(feat_hbm.at[d, pl.ds(0, _Q)],
                                 feat_v.at[0], fsem)
        rcopy.wait()
        for q in range(_NQ):
            fcopy.wait()
            if q + 1 < _NQ:
                fcopy = pltpu.async_copy(
                    feat_hbm.at[d, pl.ds((q + 1) * _Q, _Q)],
                    feat_v.at[(q + 1) % 2], fsem)

            def step(i, a, _q=q):
                off = i * _LANES
                idx = lab_v[pl.ds(_q * _Q + off, _LANES)]
                g = plsc.load_gather(row_v, [idx])
                f = feat_v[_q % 2, pl.ds(off, _LANES)]
                e = f - g
                a = list(a)
                a[0] = a[0] + e * e
                return tuple(a[1:] + a[:1])

            accs = list(plsc.parallel_loop(0, _Q // _LANES, 1,
                                           unroll=_UNROLL,
                                           carry=tuple(accs))(step))
        if k + 1 < _DPW:
            rcopy = pltpu.async_copy(cent_hbm.at[d + 1], row_v, rsem)

    acc_v[...] = ((accs[0] + accs[1]) + (accs[2] + accs[3])) * (0.5 / _B)
    pltpu.sync_copy(acc_v, out_hbm.at[wid])


def kernel(features, labels, centers):
    partials = _center_loss_partials(features.T, labels.astype(jnp.int32),
                                     centers.T)
    return jnp.sum(partials)

# --- scband reference (transcript-rebuilt; emitter-appended) ---
"""Pipeline reference for scband-center-loss-41523743817776 (READ-ONLY COPY).

The authoritative reference and input builder live on the scoring server;
editing this copy changes nothing except your own understanding.
"""

import jax, jax.numpy as jnp
import numpy as np

NUM_CLASSES = 100000
FEAT_DIM = 64
BATCH = 16384


def setup_inputs(seed: int = 0) -> dict:
    key = jax.random.key(seed)
    k1, k2, k3 = jax.random.split(key, 3)
    features = jax.random.normal(k1, (BATCH, FEAT_DIM), dtype=jnp.float32)
    labels = jax.random.randint(k2, (BATCH,), 0, NUM_CLASSES, dtype=jnp.int32).astype(jnp.int64)
    # learned parameter: class centers (nn.Parameter in the torch module)
    centers = jax.random.normal(k3, (NUM_CLASSES, FEAT_DIM), dtype=jnp.float32)
    return {"features": features, "labels": labels, "centers": centers}


def reference(features, labels, centers):
    batch_size = features.shape[0]
    features = features.reshape(batch_size, -1)
    # size_average=True -> divide by batch_size
    centers_batch = jnp.take(centers, labels, axis=0)
    loss = jnp.sum((features - centers_batch) ** 2) / 2.0 / batch_size
    return loss

if __name__ == "__main__":
    import jax
    _d = setup_inputs()
    print(jax.jit(kernel)(*tuple(_d.values())))

</pallas_src>

<mosaic_0001>
#map = affine_map<(d0, d1) -> (0, 0)>
#map1 = affine_map<(d0, d1) -> (0)>
module attributes {stable_mosaic.version = 14 : i64} {
  func.func @_center_loss_partials(%arg0: i32, %arg1: i32, %arg2: memref<64x16384xf32, #tpu.memory_space<hbm>>, %arg3: memref<16384xi32, #tpu.memory_space<hbm>>, %arg4: memref<64x100000xf32, #tpu.memory_space<hbm>>, %arg5: memref<32x16xf32, #tpu.memory_space<hbm>>, %arg6: memref<100000xf32, #tpu.memory_space<vmem>>, %arg7: memref<16384xi32, #tpu.memory_space<vmem>>, %arg8: memref<2x4096xf32, #tpu.memory_space<vmem>>, %arg9: memref<16xf32, #tpu.memory_space<vmem>>, %arg10: memref<!tpu.dma_semaphore, #tpu.memory_space<semaphore_mem>>, %arg11: memref<!tpu.dma_semaphore, #tpu.memory_space<semaphore_mem>>, %arg12: memref<!tpu.dma_semaphore, #tpu.memory_space<semaphore_mem>>) attributes {dimension_semantics = [#tpu.dimension_semantics<core_parallel>, #tpu.dimension_semantics<subcore_parallel>], iteration_bounds = array<i64: 2, 16>, scalar_prefetch = 0 : i64, scratch_operands = 7 : i64, tpu.core_type = #tpu.core_type<sc_vector_subcore>, window_params = [{transform_indices = #map}, {transform_indices = #map1}, {transform_indices = #map}, {transform_indices = #map}]} {
    %mul3A = arith.constant 2 : i32
    %mul3A_0 = arith.muli %arg1, %mul3A : i32
    %add3A = arith.addi %mul3A_0, %arg0 : i32
    tpu.enqueue_dma source(%arg3 : memref<16384xi32, #tpu.memory_space<hbm>>) target(%arg7 : memref<16384xi32, #tpu.memory_space<vmem>>) target_semaphore(%arg11 : memref<!tpu.dma_semaphore, #tpu.memory_space<semaphore_mem>>)
    %mul3A_1 = arith.constant 2 : i32
    %mul3A_2 = arith.muli %add3A, %mul3A_1 : i32
    %dma_start3A = arith.constant 0 : i32
    %dma_start3A_3 = tpu.memref_slice %arg4[%mul3A_2, %dma_start3A] : memref<64x100000xf32, #tpu.memory_space<hbm>> -> memref<1x100000xf32, #tpu.memory_space<hbm>>
    %dma_start3A_4 = tpu.memref_squeeze %dma_start3A_3 : memref<1x100000xf32, #tpu.memory_space<hbm>> -> memref<100000xf32, #tpu.memory_space<hbm>>
    %dma_start3A_5 = arith.constant 0 : i32
    %dma_start3A_6 = tpu.memref_slice %arg4[%mul3A_2, %dma_start3A_5] : memref<64x100000xf32, #tpu.memory_space<hbm>> -> memref<1x100000xf32, #tpu.memory_space<hbm>>
    %dma_start3A_7 = tpu.memref_squeeze %dma_start3A_6 : memref<1x100000xf32, #tpu.memory_space<hbm>> -> memref<100000xf32, #tpu.memory_space<hbm>>
    tpu.enqueue_dma source(%dma_start3A_7 : memref<100000xf32, #tpu.memory_space<hbm>>) target(%arg6 : memref<100000xf32, #tpu.memory_space<vmem>>) target_semaphore(%arg10 : memref<!tpu.dma_semaphore, #tpu.memory_space<semaphore_mem>>)
    tpu.wait_dma2 semaphore(%arg11 : memref<!tpu.dma_semaphore, #tpu.memory_space<semaphore_mem>>) src(%arg3 : memref<16384xi32, #tpu.memory_space<hbm>>) dst(%arg7 : memref<16384xi32, #tpu.memory_space<vmem>>)
    %broadcast_in_dim3A = arith.constant 0.000000e+00 : f32
    %broadcast_in_dim3A_8 = vector.broadcast %broadcast_in_dim3A : f32 to vector<16xf32>
    %broadcast_in_dim3A_9 = arith.constant 0.000000e+00 : f32
    %broadcast_in_dim3A_10 = vector.broadcast %broadcast_in_dim3A_9 : f32 to vector<16xf32>
    %broadcast_in_dim3A_11 = arith.constant 0.000000e+00 : f32
    %broadcast_in_dim3A_12 = vector.broadcast %broadcast_in_dim3A_11 : f32 to vector<16xf32>
    %broadcast_in_dim3A_13 = arith.constant 0.000000e+00 : f32
    %broadcast_in_dim3A_14 = vector.broadcast %broadcast_in_dim3A_13 : f32 to vector<16xf32>
    %mul3A_15 = arith.constant 2 : i32
    %mul3A_16 = arith.muli %add3A, %mul3A_15 : i32
    %add3A_17 = arith.constant 0 : i32
    %add3A_18 = arith.addi %mul3A_16, %add3A_17 : i32
    %dma_start3A_19 = arith.constant 0 : i32
    %dma_start3A_20 = arith.constant 0 : i32
    %dma_start3A_21 = tpu.memref_slice %arg8[%dma_start3A_19, %dma_start3A_20] : memref<2x4096xf32, #tpu.memory_space<vmem>> -> memref<1x4096xf32, #tpu.memory_space<vmem>>
    %dma_start3A_22 = tpu.memref_squeeze %dma_start3A_21 : memref<1x4096xf32, #tpu.memory_space<vmem>> -> memref<4096xf32, #tpu.memory_space<vmem>>
    %dma_start3A_23 = arith.constant 0 : i32
    %dma_start3A_24 = tpu.memref_slice %arg2[%add3A_18, %dma_start3A_23] : memref<64x16384xf32, #tpu.memory_space<hbm>> -> memref<1x4096xf32, #tpu.memory_space<hbm>>
    %dma_start3A_25 = tpu.memref_squeeze %dma_start3A_24 : memref<1x4096xf32, #tpu.memory_space<hbm>> -> memref<4096xf32, #tpu.memory_space<hbm>>
    %dma_start3A_26 = arith.constant 0 : i32
    %dma_start3A_27 = tpu.memref_slice %arg8[%dma_start3A_19, %dma_start3A_26] : memref<2x4096xf32, #tpu.memory_space<vmem>> -> memref<1x4096xf32, #tpu.memory_space<vmem>>
    %dma_start3A_28 = tpu.memref_squeeze %dma_start3A_27 : memref<1x4096xf32, #tpu.memory_space<vmem>> -> memref<4096xf32, #tpu.memory_space<vmem>>
    %dma_start3A_29 = arith.constant 0 : i32
    %dma_start3A_30 = tpu.memref_slice %arg2[%add3A_18, %dma_start3A_29] : memref<64x16384xf32, #tpu.memory_space<hbm>> -> memref<1x4096xf32, #tpu.memory_space<hbm>>
    %dma_start3A_31 = tpu.memref_squeeze %dma_start3A_30 : memref<1x4096xf32, #tpu.memory_space<hbm>> -> memref<4096xf32, #tpu.memory_space<hbm>>
    tpu.enqueue_dma source(%dma_start3A_31 : memref<4096xf32, #tpu.memory_space<hbm>>) target(%dma_start3A_28 : memref<4096xf32, #tpu.memory_space<vmem>>) target_semaphore(%arg12 : memref<!tpu.dma_semaphore, #tpu.memory_space<semaphore_mem>>)
    %dma_wait3A = arith.constant 0 : i32
    %dma_wait3A_32 = tpu.memref_slice %arg4[%mul3A_2, %dma_wait3A] : memref<64x100000xf32, #tpu.memory_space<hbm>> -> memref<1x100000xf32, #tpu.memory_space<hbm>>
    %dma_wait3A_33 = tpu.memref_squeeze %dma_wait3A_32 : memref<1x100000xf32, #tpu.memory_space<hbm>> -> memref<100000xf32, #tpu.memory_space<hbm>>
    %dma_wait3A_34 = arith.constant 0 : i32
    %dma_wait3A_35 = tpu.memref_slice %arg4[%mul3A_2, %dma_wait3A_34] : memref<64x100000xf32, #tpu.memory_space<hbm>> -> memref<1x100000xf32, #tpu.memory_space<hbm>>
    %dma_wait3A_36 = tpu.memref_squeeze %dma_wait3A_35 : memref<1x100000xf32, #tpu.memory_space<hbm>> -> memref<100000xf32, #tpu.memory_space<hbm>>
    tpu.wait_dma2 semaphore(%arg10 : memref<!tpu.dma_semaphore, #tpu.memory_space<semaphore_mem>>) src(%dma_wait3A_36 : memref<100000xf32, #tpu.memory_space<hbm>>) dst(%arg6 : memref<100000xf32, #tpu.memory_space<vmem>>)
    %dma_wait3A_37 = arith.constant 0 : i32
    %dma_wait3A_38 = arith.constant 0 : i32
    %dma_wait3A_39 = tpu.memref_slice %arg8[%dma_wait3A_37, %dma_wait3A_38] : memref<2x4096xf32, #tpu.memory_space<vmem>> -> memref<1x4096xf32, #tpu.memory_space<vmem>>
    %dma_wait3A_40 = tpu.memref_squeeze %dma_wait3A_39 : memref<1x4096xf32, #tpu.memory_space<vmem>> -> memref<4096xf32, #tpu.memory_space<vmem>>
    %dma_wait3A_41 = arith.constant 0 : i32
    %dma_wait3A_42 = tpu.memref_slice %arg2[%add3A_18, %dma_wait3A_41] : memref<64x16384xf32, #tpu.memory_space<hbm>> -> memref<1x4096xf32, #tpu.memory_space<hbm>>
    %dma_wait3A_43 = tpu.memref_squeeze %dma_wait3A_42 : memref<1x4096xf32, #tpu.memory_space<hbm>> -> memref<4096xf32, #tpu.memory_space<hbm>>
    %dma_wait3A_44 = arith.constant 0 : i32
    %dma_wait3A_45 = tpu.memref_slice %arg8[%dma_wait3A_37, %dma_wait3A_44] : memref<2x4096xf32, #tpu.memory_space<vmem>> -> memref<1x4096xf32, #tpu.memory_space<vmem>>
    %dma_wait3A_46 = tpu.memref_squeeze %dma_wait3A_45 : memref<1x4096xf32, #tpu.memory_space<vmem>> -> memref<4096xf32, #tpu.memory_space<vmem>>
    %dma_wait3A_47 = arith.constant 0 : i32
    %dma_wait3A_48 = tpu.memref_slice %arg2[%add3A_18, %dma_wait3A_47] : memref<64x16384xf32, #tpu.memory_space<hbm>> -> memref<1x4096xf32, #tpu.memory_space<hbm>>
    %dma_wait3A_49 = tpu.memref_squeeze %dma_wait3A_48 : memref<1x4096xf32, #tpu.memory_space<hbm>> -> memref<4096xf32, #tpu.memory_space<hbm>>
    tpu.wait_dma2 semaphore(%arg12 : memref<!tpu.dma_semaphore, #tpu.memory_space<semaphore_mem>>) src(%dma_wait3A_49 : memref<4096xf32, #tpu.memory_space<hbm>>) dst(%dma_wait3A_46 : memref<4096xf32, #tpu.memory_space<vmem>>)
    %dma_start3A_50 = arith.constant 1 : i32
    %dma_start3A_51 = arith.constant 0 : i32
    %dma_start3A_52 = tpu.memref_slice %arg8[%dma_start3A_50, %dma_start3A_51] : memref<2x4096xf32, #tpu.memory_space<vmem>> -> memref<1x4096xf32, #tpu.memory_space<vmem>>
    %dma_start3A_53 = tpu.memref_squeeze %dma_start3A_52 : memref<1x4096xf32, #tpu.memory_space<vmem>> -> memref<4096xf32, #tpu.memory_space<vmem>>
    %dma_start3A_54 = arith.constant 4096 : i32
    %dma_start3A_55 = tpu.memref_slice %arg2[%add3A_18, %dma_start3A_54] : memref<64x16384xf32, #tpu.memory_space<hbm>> -> memref<1x4096xf32, #tpu.memory_space<hbm>>
    %dma_start3A_56 = tpu.memref_squeeze %dma_start3A_55 : memref<1x4096xf32, #tpu.memory_space<hbm>> -> memref<4096xf32, #tpu.memory_space<hbm>>
    %dma_start3A_57 = arith.constant 0 : i32
    %dma_start3A_58 = tpu.memref_slice %arg8[%dma_start3A_50, %dma_start3A_57] : memref<2x4096xf32, #tpu.memory_space<vmem>> -> memref<1x4096xf32, #tpu.memory_space<vmem>>
    %dma_start3A_59 = tpu.memref_squeeze %dma_start3A_58 : memref<1x4096xf32, #tpu.memory_space<vmem>> -> memref<4096xf32, #tpu.memory_space<vmem>>
    %dma_start3A_60 = arith.constant 4096 : i32
    %dma_start3A_61 = tpu.memref_slice %arg2[%add3A_18, %dma_start3A_60] : memref<64x16384xf32, #tpu.memory_space<hbm>> -> memref<1x4096xf32, #tpu.memory_space<hbm>>
    %dma_start3A_62 = tpu.memref_squeeze %dma_start3A_61 : memref<1x4096xf32, #tpu.memory_space<hbm>> -> memref<4096xf32, #tpu.memory_space<hbm>>
    tpu.enqueue_dma source(%dma_start3A_62 : memref<4096xf32, #tpu.memory_space<hbm>>) target(%dma_start3A_59 : memref<4096xf32, #tpu.memory_space<vmem>>) target_semaphore(%arg12 : memref<!tpu.dma_semaphore, #tpu.memory_space<semaphore_mem>>)
    %parallel_loop3A = arith.constant 0 : i32
    %parallel_loop3A_63 = arith.constant 256 : i32
    %parallel_loop3A_64 = arith.constant 1 : i32
    %parallel_loop3A_65:4 = scf.for %parallel_loop3A_288 = %parallel_loop3A to %parallel_loop3A_63 step %parallel_loop3A_64 iter_args(%parallel_loop3A_289 = %broadcast_in_dim3A_8, %parallel_loop3A_290 = %broadcast_in_dim3A_10, %parallel_loop3A_291 = %broadcast_in_dim3A_12, %parallel_loop3A_292 = %broadcast_in_dim3A_14) -> (vector<16xf32>, vector<16xf32>, vector<16xf32>, vector<16xf32>)  : i32 {
      %parallel_loop3A_293 = arith.constant 16 : i32
      %parallel_loop3A_294 = arith.muli %parallel_loop3A_288, %parallel_loop3A_293 : i32
      %parallel_loop3A_295 = arith.constant 0 : i32
      %parallel_loop3A_296 = arith.addi %parallel_loop3A_295, %parallel_loop3A_294 : i32
      %parallel_loop3A_297 = arith.index_cast %parallel_loop3A_296 : i32 to index
      %parallel_loop3A_298 = tpu.vector_load %arg7[%parallel_loop3A_297] {strides = array<i32>} : memref<16384xi32, #tpu.memory_space<vmem>>, vector<16xi32>,
      %parallel_loop3A_299 = tpu.vector_load_idx %arg6[%parallel_loop3A_298] : memref<100000xf32, #tpu.memory_space<vmem>>[vector<16xi32>], vector<16xf32>,
      %parallel_loop3A_300 = arith.constant 0 : i32
      %parallel_loop3A_301 = arith.index_cast %parallel_loop3A_300 : i32 to index
      %parallel_loop3A_302 = arith.index_cast %parallel_loop3A_294 : i32 to index
      %parallel_loop3A_303 = tpu.vector_load %arg8[%parallel_loop3A_301, %parallel_loop3A_302] {strides = array<i32>} : memref<2x4096xf32, #tpu.memory_space<vmem>>, vector<16xf32>,
      %parallel_loop3A_304 = arith.subf %parallel_loop3A_303, %parallel_loop3A_299 : vector<16xf32>
      %parallel_loop3A_305 = arith.mulf %parallel_loop3A_304, %parallel_loop3A_304 : vector<16xf32>
      %parallel_loop3A_306 = arith.addf %parallel_loop3A_289, %parallel_loop3A_305 : vector<16xf32>
      scf.yield %parallel_loop3A_290, %parallel_loop3A_291, %parallel_loop3A_292, %parallel_loop3A_306 : vector<16xf32>, vector<16xf32>, vector<16xf32>, vector<16xf32>
    } {sc.loop_unroll_factor = 8 : i64, sc.parallel_access}
    %dma_wait3A_66 = arith.constant 1 : i32
    %dma_wait3A_67 = arith.constant 0 : i32
    %dma_wait3A_68 = tpu.memref_slice %arg8[%dma_wait3A_66, %dma_wait3A_67] : memref<2x4096xf32, #tpu.memory_space<vmem>> -> memref<1x4096xf32, #tpu.memory_space<vmem>>
    %dma_wait3A_69 = tpu.memref_squeeze %dma_wait3A_68 : memref<1x4096xf32, #tpu.memory_space<vmem>> -> memref<4096xf32, #tpu.memory_space<vmem>>
    %dma_wait3A_70 = arith.constant 4096 : i32
    %dma_wait3A_71 = tpu.memref_slice %arg2[%add3A_18, %dma_wait3A_70] : memref<64x16384xf32, #tpu.memory_space<hbm>> -> memref<1x4096xf32, #tpu.memory_space<hbm>>
    %dma_wait3A_72 = tpu.memref_squeeze %dma_wait3A_71 : memref<1x4096xf32, #tpu.memory_space<hbm>> -> memref<4096xf32, #tpu.memory_space<hbm>>
    %dma_wait3A_73 = arith.constant 0 : i32
    %dma_wait3A_74 = tpu.memref_slice %arg8[%dma_wait3A_66, %dma_wait3A_73] : memref<2x4096xf32, #tpu.memory_space<vmem>> -> memref<1x4096xf32, #tpu.memory_space<vmem>>
    %dma_wait3A_75 = tpu.memref_squeeze %dma_wait3A_74 : memref<1x4096xf32, #tpu.memory_space<vmem>> -> memref<4096xf32, #tpu.memory_space<vmem>>
    %dma_wait3A_76 = arith.constant 4096 : i32
    %dma_wait3A_77 = tpu.memref_slice %arg2[%add3A_18, %dma_wait3A_76] : memref<64x16384xf32, #tpu.memory_space<hbm>> -> memref<1x4096xf32, #tpu.memory_space<hbm>>
    %dma_wait3A_78 = tpu.memref_squeeze %dma_wait3A_77 : memref<1x4096xf32, #tpu.memory_space<hbm>> -> memref<4096xf32, #tpu.memory_space<hbm>>
    tpu.wait_dma2 semaphore(%arg12 : memref<!tpu.dma_semaphore, #tpu.memory_space<semaphore_mem>>) src(%dma_wait3A_78 : memref<4096xf32, #tpu.memory_space<hbm>>) dst(%dma_wait3A_75 : memref<4096xf32, #tpu.memory_space<vmem>>)
    %dma_start3A_79 = arith.constant 0 : i32
    %dma_start3A_80 = arith.constant 0 : i32
    %dma_start3A_81 = tpu.memref_slice %arg8[%dma_start3A_79, %dma_start3A_80] : memref<2x4096xf32, #tpu.memory_space<vmem>> -> memref<1x4096xf32, #tpu.memory_space<vmem>>
    %dma_start3A_82 = tpu.memref_squeeze %dma_start3A_81 : memref<1x4096xf32, #tpu.memory_space<vmem>> -> memref<4096xf32, #tpu.memory_space<vmem>>
    %dma_start3A_83 = arith.constant 8192 : i32
    %dma_start3A_84 = tpu.memref_slice %arg2[%add3A_18, %dma_start3A_83] : memref<64x16384xf32, #tpu.memory_space<hbm>> -> memref<1x4096xf32, #tpu.memory_space<hbm>>
    %dma_start3A_85 = tpu.memref_squeeze %dma_start3A_84 : memref<1x4096xf32, #tpu.memory_space<hbm>> -> memref<4096xf32, #tpu.memory_space<hbm>>
    %dma_start3A_86 = arith.constant 0 : i32
    %dma_start3A_87 = tpu.memref_slice %arg8[%dma_start3A_79, %dma_start3A_86] : memref<2x4096xf32, #tpu.memory_space<vmem>> -> memref<1x4096xf32, #tpu.memory_space<vmem>>
    %dma_start3A_88 = tpu.memref_squeeze %dma_start3A_87 : memref<1x4096xf32, #tpu.memory_space<vmem>> -> memref<4096xf32, #tpu.memory_space<vmem>>
    %dma_start3A_89 = arith.constant 8192 : i32
    %dma_start3A_90 = tpu.memref_slice %arg2[%add3A_18, %dma_start3A_89] : memref<64x16384xf32, #tpu.memory_space<hbm>> -> memref<1x4096xf32, #tpu.memory_space<hbm>>
    %dma_start3A_91 = tpu.memref_squeeze %dma_start3A_90 : memref<1x4096xf32, #tpu.memory_space<hbm>> -> memref<4096xf32, #tpu.memory_space<hbm>>
    tpu.enqueue_dma source(%dma_start3A_91 : memref<4096xf32, #tpu.memory_space<hbm>>) target(%dma_start3A_88 : memref<4096xf32, #tpu.memory_space<vmem>>) target_semaphore(%arg12 : memref<!tpu.dma_semaphore, #tpu.memory_space<semaphore_mem>>)
    %parallel_loop3A_92 = arith.constant 0 : i32
    %parallel_loop3A_93 = arith.constant 256 : i32
    %parallel_loop3A_94 = arith.constant 1 : i32
    %parallel_loop3A_95:4 = scf.for %parallel_loop3A_288 = %parallel_loop3A_92 to %parallel_loop3A_93 step %parallel_loop3A_94 iter_args(%parallel_loop3A_289 = %parallel_loop3A_65#0, %parallel_loop3A_290 = %parallel_loop3A_65#1, %parallel_loop3A_291 = %parallel_loop3A_65#2, %parallel_loop3A_292 = %parallel_loop3A_65#3) -> (vector<16xf32>, vector<16xf32>, vector<16xf32>, vector<16xf32>)  : i32 {
      %parallel_loop3A_293 = arith.constant 16 : i32
      %parallel_loop3A_294 = arith.muli %parallel_loop3A_288, %parallel_loop3A_293 : i32
      %parallel_loop3A_295 = arith.constant 4096 : i32
      %parallel_loop3A_296 = arith.addi %parallel_loop3A_295, %parallel_loop3A_294 : i32
      %parallel_loop3A_297 = arith.index_cast %parallel_loop3A_296 : i32 to index
      %parallel_loop3A_298 = tpu.vector_load %arg7[%parallel_loop3A_297] {strides = array<i32>} : memref<16384xi32, #tpu.memory_space<vmem>>, vector<16xi32>,
      %parallel_loop3A_299 = tpu.vector_load_idx %arg6[%parallel_loop3A_298] : memref<100000xf32, #tpu.memory_space<vmem>>[vector<16xi32>], vector<16xf32>,
      %parallel_loop3A_300 = arith.constant 1 : i32
      %parallel_loop3A_301 = arith.index_cast %parallel_loop3A_300 : i32 to index
      %parallel_loop3A_302 = arith.index_cast %parallel_loop3A_294 : i32 to index
      %parallel_loop3A_303 = tpu.vector_load %arg8[%parallel_loop3A_301, %parallel_loop3A_302] {strides = array<i32>} : memref<2x4096xf32, #tpu.memory_space<vmem>>, vector<16xf32>,
      %parallel_loop3A_304 = arith.subf %parallel_loop3A_303, %parallel_loop3A_299 : vector<16xf32>
      %parallel_loop3A_305 = arith.mulf %parallel_loop3A_304, %parallel_loop3A_304 : vector<16xf32>
      %parallel_loop3A_306 = arith.addf %parallel_loop3A_289, %parallel_loop3A_305 : vector<16xf32>
      scf.yield %parallel_loop3A_290, %parallel_loop3A_291, %parallel_loop3A_292, %parallel_loop3A_306 : vector<16xf32>, vector<16xf32>, vector<16xf32>, vector<16xf32>
    } {sc.loop_unroll_factor = 8 : i64, sc.parallel_access}
    %dma_wait3A_96 = arith.constant 0 : i32
    %dma_wait3A_97 = arith.constant 0 : i32
    %dma_wait3A_98 = tpu.memref_slice %arg8[%dma_wait3A_96, %dma_wait3A_97] : memref<2x4096xf32, #tpu.memory_space<vmem>> -> memref<1x4096xf32, #tpu.memory_space<vmem>>
    %dma_wait3A_99 = tpu.memref_squeeze %dma_wait3A_98 : memref<1x4096xf32, #tpu.memory_space<vmem>> -> memref<4096xf32, #tpu.memory_space<vmem>>
    %dma_wait3A_100 = arith.constant 8192 : i32
    %dma_wait3A_101 = tpu.memref_slice %arg2[%add3A_18, %dma_wait3A_100] : memref<64x16384xf32, #tpu.memory_space<hbm>> -> memref<1x4096xf32, #tpu.memory_space<hbm>>
    %dma_wait3A_102 = tpu.memref_squeeze %dma_wait3A_101 : memref<1x4096xf32, #tpu.memory_space<hbm>> -> memref<4096xf32, #tpu.memory_space<hbm>>
    %dma_wait3A_103 = arith.constant 0 : i32
    %dma_wait3A_104 = tpu.memref_slice %arg8[%dma_wait3A_96, %dma_wait3A_103] : memref<2x4096xf32, #tpu.memory_space<vmem>> -> memref<1x4096xf32, #tpu.memory_space<vmem>>
    %dma_wait3A_105 = tpu.memref_squeeze %dma_wait3A_104 : memref<1x4096xf32, #tpu.memory_space<vmem>> -> memref<4096xf32, #tpu.memory_space<vmem>>
    %dma_wait3A_106 = arith.constant 8192 : i32
    %dma_wait3A_107 = tpu.memref_slice %arg2[%add3A_18, %dma_wait3A_106] : memref<64x16384xf32, #tpu.memory_space<hbm>> -> memref<1x4096xf32, #tpu.memory_space<hbm>>
    %dma_wait3A_108 = tpu.memref_squeeze %dma_wait3A_107 : memref<1x4096xf32, #tpu.memory_space<hbm>> -> memref<4096xf32, #tpu.memory_space<hbm>>
    tpu.wait_dma2 semaphore(%arg12 : memref<!tpu.dma_semaphore, #tpu.memory_space<semaphore_mem>>) src(%dma_wait3A_108 : memref<4096xf32, #tpu.memory_space<hbm>>) dst(%dma_wait3A_105 : memref<4096xf32, #tpu.memory_space<vmem>>)
    %dma_start3A_109 = arith.constant 1 : i32
    %dma_start3A_110 = arith.constant 0 : i32
    %dma_start3A_111 = tpu.memref_slice %arg8[%dma_start3A_109, %dma_start3A_110] : memref<2x4096xf32, #tpu.memory_space<vmem>> -> memref<1x4096xf32, #tpu.memory_space<vmem>>
    %dma_start3A_112 = tpu.memref_squeeze %dma_start3A_111 : memref<1x4096xf32, #tpu.memory_space<vmem>> -> memref<4096xf32, #tpu.memory_space<vmem>>
    %dma_start3A_113 = arith.constant 12288 : i32
    %dma_start3A_114 = tpu.memref_slice %arg2[%add3A_18, %dma_start3A_113] : memref<64x16384xf32, #tpu.memory_space<hbm>> -> memref<1x4096xf32, #tpu.memory_space<hbm>>
    %dma_start3A_115 = tpu.memref_squeeze %dma_start3A_114 : memref<1x4096xf32, #tpu.memory_space<hbm>> -> memref<4096xf32, #tpu.memory_space<hbm>>
    %dma_start3A_116 = arith.constant 0 : i32
    %dma_start3A_117 = tpu.memref_slice %arg8[%dma_start3A_109, %dma_start3A_116] : memref<2x4096xf32, #tpu.memory_space<vmem>> -> memref<1x4096xf32, #tpu.memory_space<vmem>>
    %dma_start3A_118 = tpu.memref_squeeze %dma_start3A_117 : memref<1x4096xf32, #tpu.memory_space<vmem>> -> memref<4096xf32, #tpu.memory_space<vmem>>
    %dma_start3A_119 = arith.constant 12288 : i32
    %dma_start3A_120 = tpu.memref_slice %arg2[%add3A_18, %dma_start3A_119] : memref<64x16384xf32, #tpu.memory_space<hbm>> -> memref<1x4096xf32, #tpu.memory_space<hbm>>
    %dma_start3A_121 = tpu.memref_squeeze %dma_start3A_120 : memref<1x4096xf32, #tpu.memory_space<hbm>> -> memref<4096xf32, #tpu.memory_space<hbm>>
    tpu.enqueue_dma source(%dma_start3A_121 : memref<4096xf32, #tpu.memory_space<hbm>>) target(%dma_start3A_118 : memref<4096xf32, #tpu.memory_space<vmem>>) target_semaphore(%arg12 : memref<!tpu.dma_semaphore, #tpu.memory_space<semaphore_mem>>)
    %parallel_loop3A_122 = arith.constant 0 : i32
    %parallel_loop3A_123 = arith.constant 256 : i32
    %parallel_loop3A_124 = arith.constant 1 : i32
    %parallel_loop3A_125:4 = scf.for %parallel_loop3A_288 = %parallel_loop3A_122 to %parallel_loop3A_123 step %parallel_loop3A_124 iter_args(%parallel_loop3A_289 = %parallel_loop3A_95#0, %parallel_loop3A_290 = %parallel_loop3A_95#1, %parallel_loop3A_291 = %parallel_loop3A_95#2, %parallel_loop3A_292 = %parallel_loop3A_95#3) -> (vector<16xf32>, vector<16xf32>, vector<16xf32>, vector<16xf32>)  : i32 {
      %parallel_loop3A_293 = arith.constant 16 : i32
      %parallel_loop3A_294 = arith.muli %parallel_loop3A_288, %parallel_loop3A_293 : i32
      %parallel_loop3A_295 = arith.constant 8192 : i32
      %parallel_loop3A_296 = arith.addi %parallel_loop3A_295, %parallel_loop3A_294 : i32
      %parallel_loop3A_297 = arith.index_cast %parallel_loop3A_296 : i32 to index
      %parallel_loop3A_298 = tpu.vector_load %arg7[%parallel_loop3A_297] {strides = array<i32>} : memref<16384xi32, #tpu.memory_space<vmem>>, vector<16xi32>,
      %parallel_loop3A_299 = tpu.vector_load_idx %arg6[%parallel_loop3A_298] : memref<100000xf32, #tpu.memory_space<vmem>>[vector<16xi32>], vector<16xf32>,
      %parallel_loop3A_300 = arith.constant 0 : i32
      %parallel_loop3A_301 = arith.index_cast %parallel_loop3A_300 : i32 to index
      %parallel_loop3A_302 = arith.index_cast %parallel_loop3A_294 : i32 to index
      %parallel_loop3A_303 = tpu.vector_load %arg8[%parallel_loop3A_301, %parallel_loop3A_302] {strides = array<i32>} : memref<2x4096xf32, #tpu.memory_space<vmem>>, vector<16xf32>,
      %parallel_loop3A_304 = arith.subf %parallel_loop3A_303, %parallel_loop3A_299 : vector<16xf32>
      %parallel_loop3A_305 = arith.mulf %parallel_loop3A_304, %parallel_loop3A_304 : vector<16xf32>
      %parallel_loop3A_306 = arith.addf %parallel_loop3A_289, %parallel_loop3A_305 : vector<16xf32>
      scf.yield %parallel_loop3A_290, %parallel_loop3A_291, %parallel_loop3A_292, %parallel_loop3A_306 : vector<16xf32>, vector<16xf32>, vector<16xf32>, vector<16xf32>
    } {sc.loop_unroll_factor = 8 : i64, sc.parallel_access}
    %dma_wait3A_126 = arith.constant 1 : i32
    %dma_wait3A_127 = arith.constant 0 : i32
    %dma_wait3A_128 = tpu.memref_slice %arg8[%dma_wait3A_126, %dma_wait3A_127] : memref<2x4096xf32, #tpu.memory_space<vmem>> -> memref<1x4096xf32, #tpu.memory_space<vmem>>
    %dma_wait3A_129 = tpu.memref_squeeze %dma_wait3A_128 : memref<1x4096xf32, #tpu.memory_space<vmem>> -> memref<4096xf32, #tpu.memory_space<vmem>>
    %dma_wait3A_130 = arith.constant 12288 : i32
    %dma_wait3A_131 = tpu.memref_slice %arg2[%add3A_18, %dma_wait3A_130] : memref<64x16384xf32, #tpu.memory_space<hbm>> -> memref<1x4096xf32, #tpu.memory_space<hbm>>
    %dma_wait3A_132 = tpu.memref_squeeze %dma_wait3A_131 : memref<1x4096xf32, #tpu.memory_space<hbm>> -> memref<4096xf32, #tpu.memory_space<hbm>>
    %dma_wait3A_133 = arith.constant 0 : i32
    %dma_wait3A_134 = tpu.memref_slice %arg8[%dma_wait3A_126, %dma_wait3A_133] : memref<2x4096xf32, #tpu.memory_space<vmem>> -> memref<1x4096xf32, #tpu.memory_space<vmem>>
    %dma_wait3A_135 = tpu.memref_squeeze %dma_wait3A_134 : memref<1x4096xf32, #tpu.memory_space<vmem>> -> memref<4096xf32, #tpu.memory_space<vmem>>
    %dma_wait3A_136 = arith.constant 12288 : i32
    %dma_wait3A_137 = tpu.memref_slice %arg2[%add3A_18, %dma_wait3A_136] : memref<64x16384xf32, #tpu.memory_space<hbm>> -> memref<1x4096xf32, #tpu.memory_space<hbm>>
    %dma_wait3A_138 = tpu.memref_squeeze %dma_wait3A_137 : memref<1x4096xf32, #tpu.memory_space<hbm>> -> memref<4096xf32, #tpu.memory_space<hbm>>
    tpu.wait_dma2 semaphore(%arg12 : memref<!tpu.dma_semaphore, #tpu.memory_space<semaphore_mem>>) src(%dma_wait3A_138 : memref<4096xf32, #tpu.memory_space<hbm>>) dst(%dma_wait3A_135 : memref<4096xf32, #tpu.memory_space<vmem>>)
    %parallel_loop3A_139 = arith.constant 0 : i32
    %parallel_loop3A_140 = arith.constant 256 : i32
    %parallel_loop3A_141 = arith.constant 1 : i32
    %parallel_loop3A_142:4 = scf.for %parallel_loop3A_288 = %parallel_loop3A_139 to %parallel_loop3A_140 step %parallel_loop3A_141 iter_args(%parallel_loop3A_289 = %parallel_loop3A_125#0, %parallel_loop3A_290 = %parallel_loop3A_125#1, %parallel_loop3A_291 = %parallel_loop3A_125#2, %parallel_loop3A_292 = %parallel_loop3A_125#3) -> (vector<16xf32>, vector<16xf32>, vector<16xf32>, vector<16xf32>)  : i32 {
      %parallel_loop3A_293 = arith.constant 16 : i32
      %parallel_loop3A_294 = arith.muli %parallel_loop3A_288, %parallel_loop3A_293 : i32
      %parallel_loop3A_295 = arith.constant 12288 : i32
      %parallel_loop3A_296 = arith.addi %parallel_loop3A_295, %parallel_loop3A_294 : i32
      %parallel_loop3A_297 = arith.index_cast %parallel_loop3A_296 : i32 to index
      %parallel_loop3A_298 = tpu.vector_load %arg7[%parallel_loop3A_297] {strides = array<i32>} : memref<16384xi32, #tpu.memory_space<vmem>>, vector<16xi32>,
      %parallel_loop3A_299 = tpu.vector_load_idx %arg6[%parallel_loop3A_298] : memref<100000xf32, #tpu.memory_space<vmem>>[vector<16xi32>], vector<16xf32>,
      %parallel_loop3A_300 = arith.constant 1 : i32
      %parallel_loop3A_301 = arith.index_cast %parallel_loop3A_300 : i32 to index
      %parallel_loop3A_302 = arith.index_cast %parallel_loop3A_294 : i32 to index
      %parallel_loop3A_303 = tpu.vector_load %arg8[%parallel_loop3A_301, %parallel_loop3A_302] {strides = array<i32>} : memref<2x4096xf32, #tpu.memory_space<vmem>>, vector<16xf32>,
      %parallel_loop3A_304 = arith.subf %parallel_loop3A_303, %parallel_loop3A_299 : vector<16xf32>
      %parallel_loop3A_305 = arith.mulf %parallel_loop3A_304, %parallel_loop3A_304 : vector<16xf32>
      %parallel_loop3A_306 = arith.addf %parallel_loop3A_289, %parallel_loop3A_305 : vector<16xf32>
      scf.yield %parallel_loop3A_290, %parallel_loop3A_291, %parallel_loop3A_292, %parallel_loop3A_306 : vector<16xf32>, vector<16xf32>, vector<16xf32>, vector<16xf32>
    } {sc.loop_unroll_factor = 8 : i64, sc.parallel_access}
    %add3A_143 = arith.constant 1 : i32
    %add3A_144 = arith.addi %add3A_18, %add3A_143 : i32
    %dma_start3A_145 = arith.constant 0 : i32
    %dma_start3A_146 = tpu.memref_slice %arg4[%add3A_144, %dma_start3A_145] : memref<64x100000xf32, #tpu.memory_space<hbm>> -> memref<1x100000xf32, #tpu.memory_space<hbm>>
    %dma_start3A_147 = tpu.memref_squeeze %dma_start3A_146 : memref<1x100000xf32, #tpu.memory_space<hbm>> -> memref<100000xf32, #tpu.memory_space<hbm>>
    %dma_start3A_148 = arith.constant 0 : i32
    %dma_start3A_149 = tpu.memref_slice %arg4[%add3A_144, %dma_start3A_148] : memref<64x100000xf32, #tpu.memory_space<hbm>> -> memref<1x100000xf32, #tpu.memory_space<hbm>>
    %dma_start3A_150 = tpu.memref_squeeze %dma_start3A_149 : memref<1x100000xf32, #tpu.memory_space<hbm>> -> memref<100000xf32, #tpu.memory_space<hbm>>
    tpu.enqueue_dma source(%dma_start3A_150 : memref<100000xf32, #tpu.memory_space<hbm>>) target(%arg6 : memref<100000xf32, #tpu.memory_space<vmem>>) target_semaphore(%arg10 : memref<!tpu.dma_semaphore, #tpu.memory_space<semaphore_mem>>)
    %mul3A_151 = arith.constant 2 : i32
    %mul3A_152 = arith.muli %add3A, %mul3A_151 : i32
    %add3A_153 = arith.constant 1 : i32
    %add3A_154 = arith.addi %mul3A_152, %add3A_153 : i32
    %dma_start3A_155 = arith.constant 0 : i32
    %dma_start3A_156 = arith.constant 0 : i32
    %dma_start3A_157 = tpu.memref_slice %arg8[%dma_start3A_155, %dma_start3A_156] : memref<2x4096xf32, #tpu.memory_space<vmem>> -> memref<1x4096xf32, #tpu.memory_space<vmem>>
    %dma_start3A_158 = tpu.memref_squeeze %dma_start3A_157 : memref<1x4096xf32, #tpu.memory_space<vmem>> -> memref<4096xf32, #tpu.memory_space<vmem>>
    %dma_start3A_159 = arith.constant 0 : i32
    %dma_start3A_160 = tpu.memref_slice %arg2[%add3A_154, %dma_start3A_159] : memref<64x16384xf32, #tpu.memory_space<hbm>> -> memref<1x4096xf32, #tpu.memory_space<hbm>>
    %dma_start3A_161 = tpu.memref_squeeze %dma_start3A_160 : memref<1x4096xf32, #tpu.memory_space<hbm>> -> memref<4096xf32, #tpu.memory_space<hbm>>
    %dma_start3A_162 = arith.constant 0 : i32
    %dma_start3A_163 = tpu.memref_slice %arg8[%dma_start3A_155, %dma_start3A_162] : memref<2x4096xf32, #tpu.memory_space<vmem>> -> memref<1x4096xf32, #tpu.memory_space<vmem>>
    %dma_start3A_164 = tpu.memref_squeeze %dma_start3A_163 : memref<1x4096xf32, #tpu.memory_space<vmem>> -> memref<4096xf32, #tpu.memory_space<vmem>>
    %dma_start3A_165 = arith.constant 0 : i32
    %dma_start3A_166 = tpu.memref_slice %arg2[%add3A_154, %dma_start3A_165] : memref<64x16384xf32, #tpu.memory_space<hbm>> -> memref<1x4096xf32, #tpu.memory_space<hbm>>
    %dma_start3A_167 = tpu.memref_squeeze %dma_start3A_166 : memref<1x4096xf32, #tpu.memory_space<hbm>> -> memref<4096xf32, #tpu.memory_space<hbm>>
    tpu.enqueue_dma source(%dma_start3A_167 : memref<4096xf32, #tpu.memory_space<hbm>>) target(%dma_start3A_164 : memref<4096xf32, #tpu.memory_space<vmem>>) target_semaphore(%arg12 : memref<!tpu.dma_semaphore, #tpu.memory_space<semaphore_mem>>)
    %dma_wait3A_168 = arith.constant 0 : i32
    %dma_wait3A_169 = tpu.memref_slice %arg4[%add3A_144, %dma_wait3A_168] : memref<64x100000xf32, #tpu.memory_space<hbm>> -> memref<1x100000xf32, #tpu.memory_space<hbm>>
    %dma_wait3A_170 = tpu.memref_squeeze %dma_wait3A_169 : memref<1x100000xf32, #tpu.memory_space<hbm>> -> memref<100000xf32, #tpu.memory_space<hbm>>
    %dma_wait3A_171 = arith.constant 0 : i32
    %dma_wait3A_172 = tpu.memref_slice %arg4[%add3A_144, %dma_wait3A_171] : memref<64x100000xf32, #tpu.memory_space<hbm>> -> memref<1x100000xf32, #tpu.memory_space<hbm>>
    %dma_wait3A_173 = tpu.memref_squeeze %dma_wait3A_172 : memref<1x100000xf32, #tpu.memory_space<hbm>> -> memref<100000xf32, #tpu.memory_space<hbm>>
    tpu.wait_dma2 semaphore(%arg10 : memref<!tpu.dma_semaphore, #tpu.memory_space<semaphore_mem>>) src(%dma_wait3A_173 : memref<100000xf32, #tpu.memory_space<hbm>>) dst(%arg6 : memref<100000xf32, #tpu.memory_space<vmem>>)
    %dma_wait3A_174 = arith.constant 0 : i32
    %dma_wait3A_175 = arith.constant 0 : i32
    %dma_wait3A_176 = tpu.memref_slice %arg8[%dma_wait3A_174, %dma_wait3A_175] : memref<2x4096xf32, #tpu.memory_space<vmem>> -> memref<1x4096xf32, #tpu.memory_space<vmem>>
    %dma_wait3A_177 = tpu.memref_squeeze %dma_wait3A_176 : memref<1x4096xf32, #tpu.memory_space<vmem>> -> memref<4096xf32, #tpu.memory_space<vmem>>
    %dma_wait3A_178 = arith.constant 0 : i32
    %dma_wait3A_179 = tpu.memref_slice %arg2[%add3A_154, %dma_wait3A_178] : memref<64x16384xf32, #tpu.memory_space<hbm>> -> memref<1x4096xf32, #tpu.memory_space<hbm>>
    %dma_wait3A_180 = tpu.memref_squeeze %dma_wait3A_179 : memref<1x4096xf32, #tpu.memory_space<hbm>> -> memref<4096xf32, #tpu.memory_space<hbm>>
    %dma_wait3A_181 = arith.constant 0 : i32
    %dma_wait3A_182 = tpu.memref_slice %arg8[%dma_wait3A_174, %dma_wait3A_181] : memref<2x4096xf32, #tpu.memory_space<vmem>> -> memref<1x4096xf32, #tpu.memory_space<vmem>>
    %dma_wait3A_183 = tpu.memref_squeeze %dma_wait3A_182 : memref<1x4096xf32, #tpu.memory_space<vmem>> -> memref<4096xf32, #tpu.memory_space<vmem>>
    %dma_wait3A_184 = arith.constant 0 : i32
    %dma_wait3A_185 = tpu.memref_slice %arg2[%add3A_154, %dma_wait3A_184] : memref<64x16384xf32, #tpu.memory_space<hbm>> -> memref<1x4096xf32, #tpu.memory_space<hbm>>
    %dma_wait3A_186 = tpu.memref_squeeze %dma_wait3A_185 : memref<1x4096xf32, #tpu.memory_space<hbm>> -> memref<4096xf32, #tpu.memory_space<hbm>>
    tpu.wait_dma2 semaphore(%arg12 : memref<!tpu.dma_semaphore, #tpu.memory_space<semaphore_mem>>) src(%dma_wait3A_186 : memref<4096xf32, #tpu.memory_space<hbm>>) dst(%dma_wait3A_183 : memref<4096xf32, #tpu.memory_space<vmem>>)
    %dma_start3A_187 = arith.constant 1 : i32
    %dma_start3A_188 = arith.constant 0 : i32
    %dma_start3A_189 = tpu.memref_slice %arg8[%dma_start3A_187, %dma_start3A_188] : memref<2x4096xf32, #tpu.memory_space<vmem>> -> memref<1x4096xf32, #tpu.memory_space<vmem>>
    %dma_start3A_190 = tpu.memref_squeeze %dma_start3A_189 : memref<1x4096xf32, #tpu.memory_space<vmem>> -> memref<4096xf32, #tpu.memory_space<vmem>>
    %dma_start3A_191 = arith.constant 4096 : i32
    %dma_start3A_192 = tpu.memref_slice %arg2[%add3A_154, %dma_start3A_191] : memref<64x16384xf32, #tpu.memory_space<hbm>> -> memref<1x4096xf32, #tpu.memory_space<hbm>>
    %dma_start3A_193 = tpu.memref_squeeze %dma_start3A_192 : memref<1x4096xf32, #tpu.memory_space<hbm>> -> memref<4096xf32, #tpu.memory_space<hbm>>
    %dma_start3A_194 = arith.constant 0 : i32
    %dma_start3A_195 = tpu.memref_slice %arg8[%dma_start3A_187, %dma_start3A_194] : memref<2x4096xf32, #tpu.memory_space<vmem>> -> memref<1x4096xf32, #tpu.memory_space<vmem>>
    %dma_start3A_196 = tpu.memref_squeeze %dma_start3A_195 : memref<1x4096xf32, #tpu.memory_space<vmem>> -> memref<4096xf32, #tpu.memory_space<vmem>>
    %dma_start3A_197 = arith.constant 4096 : i32
    %dma_start3A_198 = tpu.memref_slice %arg2[%add3A_154, %dma_start3A_197] : memref<64x16384xf32, #tpu.memory_space<hbm>> -> memref<1x4096xf32, #tpu.memory_space<hbm>>
    %dma_start3A_199 = tpu.memref_squeeze %dma_start3A_198 : memref<1x4096xf32, #tpu.memory_space<hbm>> -> memref<4096xf32, #tpu.memory_space<hbm>>
    tpu.enqueue_dma source(%dma_start3A_199 : memref<4096xf32, #tpu.memory_space<hbm>>) target(%dma_start3A_196 : memref<4096xf32, #tpu.memory_space<vmem>>) target_semaphore(%arg12 : memref<!tpu.dma_semaphore, #tpu.memory_space<semaphore_mem>>)
    %parallel_loop3A_200 = arith.constant 0 : i32
    %parallel_loop3A_201 = arith.constant 256 : i32
    %parallel_loop3A_202 = arith.constant 1 : i32
    %parallel_loop3A_203:4 = scf.for %parallel_loop3A_288 = %parallel_loop3A_200 to %parallel_loop3A_201 step %parallel_loop3A_202 iter_args(%parallel_loop3A_289 = %parallel_loop3A_142#0, %parallel_loop3A_290 = %parallel_loop3A_142#1, %parallel_loop3A_291 = %parallel_loop3A_142#2, %parallel_loop3A_292 = %parallel_loop3A_142#3) -> (vector<16xf32>, vector<16xf32>, vector<16xf32>, vector<16xf32>)  : i32 {
      %parallel_loop3A_293 = arith.constant 16 : i32
      %parallel_loop3A_294 = arith.muli %parallel_loop3A_288, %parallel_loop3A_293 : i32
      %parallel_loop3A_295 = arith.constant 0 : i32
      %parallel_loop3A_296 = arith.addi %parallel_loop3A_295, %parallel_loop3A_294 : i32
      %parallel_loop3A_297 = arith.index_cast %parallel_loop3A_296 : i32 to index
      %parallel_loop3A_298 = tpu.vector_load %arg7[%parallel_loop3A_297] {strides = array<i32>} : memref<16384xi32, #tpu.memory_space<vmem>>, vector<16xi32>,
      %parallel_loop3A_299 = tpu.vector_load_idx %arg6[%parallel_loop3A_298] : memref<100000xf32, #tpu.memory_space<vmem>>[vector<16xi32>], vector<16xf32>,
      %parallel_loop3A_300 = arith.constant 0 : i32
      %parallel_loop3A_301 = arith.index_cast %parallel_loop3A_300 : i32 to index
      %parallel_loop3A_302 = arith.index_cast %parallel_loop3A_294 : i32 to index
      %parallel_loop3A_303 = tpu.vector_load %arg8[%parallel_loop3A_301, %parallel_loop3A_302] {strides = array<i32>} : memref<2x4096xf32, #tpu.memory_space<vmem>>, vector<16xf32>,
      %parallel_loop3A_304 = arith.subf %parallel_loop3A_303, %parallel_loop3A_299 : vector<16xf32>
      %parallel_loop3A_305 = arith.mulf %parallel_loop3A_304, %parallel_loop3A_304 : vector<16xf32>
      %parallel_loop3A_306 = arith.addf %parallel_loop3A_289, %parallel_loop3A_305 : vector<16xf32>
      scf.yield %parallel_loop3A_290, %parallel_loop3A_291, %parallel_loop3A_292, %parallel_loop3A_306 : vector<16xf32>, vector<16xf32>, vector<16xf32>, vector<16xf32>
    } {sc.loop_unroll_factor = 8 : i64, sc.parallel_access}
    %dma_wait3A_204 = arith.constant 1 : i32
    %dma_wait3A_205 = arith.constant 0 : i32
    %dma_wait3A_206 = tpu.memref_slice %arg8[%dma_wait3A_204, %dma_wait3A_205] : memref<2x4096xf32, #tpu.memory_space<vmem>> -> memref<1x4096xf32, #tpu.memory_space<vmem>>
    %dma_wait3A_207 = tpu.memref_squeeze %dma_wait3A_206 : memref<1x4096xf32, #tpu.memory_space<vmem>> -> memref<4096xf32, #tpu.memory_space<vmem>>
    %dma_wait3A_208 = arith.constant 4096 : i32
    %dma_wait3A_209 = tpu.memref_slice %arg2[%add3A_154, %dma_wait3A_208] : memref<64x16384xf32, #tpu.memory_space<hbm>> -> memref<1x4096xf32, #tpu.memory_space<hbm>>
    %dma_wait3A_210 = tpu.memref_squeeze %dma_wait3A_209 : memref<1x4096xf32, #tpu.memory_space<hbm>> -> memref<4096xf32, #tpu.memory_space<hbm>>
    %dma_wait3A_211 = arith.constant 0 : i32
    %dma_wait3A_212 = tpu.memref_slice %arg8[%dma_wait3A_204, %dma_wait3A_211] : memref<2x4096xf32, #tpu.memory_space<vmem>> -> memref<1x4096xf32, #tpu.memory_space<vmem>>
    %dma_wait3A_213 = tpu.memref_squeeze %dma_wait3A_212 : memref<1x4096xf32, #tpu.memory_space<vmem>> -> memref<4096xf32, #tpu.memory_space<vmem>>
    %dma_wait3A_214 = arith.constant 4096 : i32
    %dma_wait3A_215 = tpu.memref_slice %arg2[%add3A_154, %dma_wait3A_214] : memref<64x16384xf32, #tpu.memory_space<hbm>> -> memref<1x4096xf32, #tpu.memory_space<hbm>>
    %dma_wait3A_216 = tpu.memref_squeeze %dma_wait3A_215 : memref<1x4096xf32, #tpu.memory_space<hbm>> -> memref<4096xf32, #tpu.memory_space<hbm>>
    tpu.wait_dma2 semaphore(%arg12 : memref<!tpu.dma_semaphore, #tpu.memory_space<semaphore_mem>>) src(%dma_wait3A_216 : memref<4096xf32, #tpu.memory_space<hbm>>) dst(%dma_wait3A_213 : memref<4096xf32, #tpu.memory_space<vmem>>)
    %dma_start3A_217 = arith.constant 0 : i32
    %dma_start3A_218 = arith.constant 0 : i32
    %dma_start3A_219 = tpu.memref_slice %arg8[%dma_start3A_217, %dma_start3A_218] : memref<2x4096xf32, #tpu.memory_space<vmem>> -> memref<1x4096xf32, #tpu.memory_space<vmem>>
    %dma_start3A_220 = tpu.memref_squeeze %dma_start3A_219 : memref<1x4096xf32, #tpu.memory_space<vmem>> -> memref<4096xf32, #tpu.memory_space<vmem>>
    %dma_start3A_221 = arith.constant 8192 : i32
    %dma_start3A_222 = tpu.memref_slice %arg2[%add3A_154, %dma_start3A_221] : memref<64x16384xf32, #tpu.memory_space<hbm>> -> memref<1x4096xf32, #tpu.memory_space<hbm>>
    %dma_start3A_223 = tpu.memref_squeeze %dma_start3A_222 : memref<1x4096xf32, #tpu.memory_space<hbm>> -> memref<4096xf32, #tpu.memory_space<hbm>>
    %dma_start3A_224 = arith.constant 0 : i32
    %dma_start3A_225 = tpu.memref_slice %arg8[%dma_start3A_217, %dma_start3A_224] : memref<2x4096xf32, #tpu.memory_space<vmem>> -> memref<1x4096xf32, #tpu.memory_space<vmem>>
    %dma_start3A_226 = tpu.memref_squeeze %dma_start3A_225 : memref<1x4096xf32, #tpu.memory_space<vmem>> -> memref<4096xf32, #tpu.memory_space<vmem>>
    %dma_start3A_227 = arith.constant 8192 : i32
    %dma_start3A_228 = tpu.memref_slice %arg2[%add3A_154, %dma_start3A_227] : memref<64x16384xf32, #tpu.memory_space<hbm>> -> memref<1x4096xf32, #tpu.memory_space<hbm>>
    %dma_start3A_229 = tpu.memref_squeeze %dma_start3A_228 : memref<1x4096xf32, #tpu.memory_space<hbm>> -> memref<4096xf32, #tpu.memory_space<hbm>>
    tpu.enqueue_dma source(%dma_start3A_229 : memref<4096xf32, #tpu.memory_space<hbm>>) target(%dma_start3A_226 : memref<4096xf32, #tpu.memory_space<vmem>>) target_semaphore(%arg12 : memref<!tpu.dma_semaphore, #tpu.memory_space<semaphore_mem>>)
    %parallel_loop3A_230 = arith.constant 0 : i32
    %parallel_loop3A_231 = arith.constant 256 : i32
    %parallel_loop3A_232 = arith.constant 1 : i32
    %parallel_loop3A_233:4 = scf.for %parallel_loop3A_288 = %parallel_loop3A_230 to %parallel_loop3A_231 step %parallel_loop3A_232 iter_args(%parallel_loop3A_289 = %parallel_loop3A_203#0, %parallel_loop3A_290 = %parallel_loop3A_203#1, %parallel_loop3A_291 = %parallel_loop3A_203#2, %parallel_loop3A_292 = %parallel_loop3A_203#3) -> (vector<16xf32>, vector<16xf32>, vector<16xf32>, vector<16xf32>)  : i32 {
      %parallel_loop3A_293 = arith.constant 16 : i32
      %parallel_loop3A_294 = arith.muli %parallel_loop3A_288, %parallel_loop3A_293 : i32
      %parallel_loop3A_295 = arith.constant 4096 : i32
      %parallel_loop3A_296 = arith.addi %parallel_loop3A_295, %parallel_loop3A_294 : i32
      %parallel_loop3A_297 = arith.index_cast %parallel_loop3A_296 : i32 to index
      %parallel_loop3A_298 = tpu.vector_load %arg7[%parallel_loop3A_297] {strides = array<i32>} : memref<16384xi32, #tpu.memory_space<vmem>>, vector<16xi32>,
      %parallel_loop3A_299 = tpu.vector_load_idx %arg6[%parallel_loop3A_298] : memref<100000xf32, #tpu.memory_space<vmem>>[vector<16xi32>], vector<16xf32>,
      %parallel_loop3A_300 = arith.constant 1 : i32
      %parallel_loop3A_301 = arith.index_cast %parallel_loop3A_300 : i32 to index
      %parallel_loop3A_302 = arith.index_cast %parallel_loop3A_294 : i32 to index
      %parallel_loop3A_303 = tpu.vector_load %arg8[%parallel_loop3A_301, %parallel_loop3A_302] {strides = array<i32>} : memref<2x4096xf32, #tpu.memory_space<vmem>>, vector<16xf32>,
      %parallel_loop3A_304 = arith.subf %parallel_loop3A_303, %parallel_loop3A_299 : vector<16xf32>
      %parallel_loop3A_305 = arith.mulf %parallel_loop3A_304, %parallel_loop3A_304 : vector<16xf32>
      %parallel_loop3A_306 = arith.addf %parallel_loop3A_289, %parallel_loop3A_305 : vector<16xf32>
      scf.yield %parallel_loop3A_290, %parallel_loop3A_291, %parallel_loop3A_292, %parallel_loop3A_306 : vector<16xf32>, vector<16xf32>, vector<16xf32>, vector<16xf32>
    } {sc.loop_unroll_factor = 8 : i64, sc.parallel_access}
    %dma_wait3A_234 = arith.constant 0 : i32
    %dma_wait3A_235 = arith.constant 0 : i32
    %dma_wait3A_236 = tpu.memref_slice %arg8[%dma_wait3A_234, %dma_wait3A_235] : memref<2x4096xf32, #tpu.memory_space<vmem>> -> memref<1x4096xf32, #tpu.memory_space<vmem>>
    %dma_wait3A_237 = tpu.memref_squeeze %dma_wait3A_236 : memref<1x4096xf32, #tpu.memory_space<vmem>> -> memref<4096xf32, #tpu.memory_space<vmem>>
    %dma_wait3A_238 = arith.constant 8192 : i32
    %dma_wait3A_239 = tpu.memref_slice %arg2[%add3A_154, %dma_wait3A_238] : memref<64x16384xf32, #tpu.memory_space<hbm>> -> memref<1x4096xf32, #tpu.memory_space<hbm>>
    %dma_wait3A_240 = tpu.memref_squeeze %dma_wait3A_239 : memref<1x4096xf32, #tpu.memory_space<hbm>> -> memref<4096xf32, #tpu.memory_space<hbm>>
    %dma_wait3A_241 = arith.constant 0 : i32
    %dma_wait3A_242 = tpu.memref_slice %arg8[%dma_wait3A_234, %dma_wait3A_241] : memref<2x4096xf32, #tpu.memory_space<vmem>> -> memref<1x4096xf32, #tpu.memory_space<vmem>>
    %dma_wait3A_243 = tpu.memref_squeeze %dma_wait3A_242 : memref<1x4096xf32, #tpu.memory_space<vmem>> -> memref<4096xf32, #tpu.memory_space<vmem>>
    %dma_wait3A_244 = arith.constant 8192 : i32
    %dma_wait3A_245 = tpu.memref_slice %arg2[%add3A_154, %dma_wait3A_244] : memref<64x16384xf32, #tpu.memory_space<hbm>> -> memref<1x4096xf32, #tpu.memory_space<hbm>>
    %dma_wait3A_246 = tpu.memref_squeeze %dma_wait3A_245 : memref<1x4096xf32, #tpu.memory_space<hbm>> -> memref<4096xf32, #tpu.memory_space<hbm>>
    tpu.wait_dma2 semaphore(%arg12 : memref<!tpu.dma_semaphore, #tpu.memory_space<semaphore_mem>>) src(%dma_wait3A_246 : memref<4096xf32, #tpu.memory_space<hbm>>) dst(%dma_wait3A_243 : memref<4096xf32, #tpu.memory_space<vmem>>)
    %dma_start3A_247 = arith.constant 1 : i32
    %dma_start3A_248 = arith.constant 0 : i32
    %dma_start3A_249 = tpu.memref_slice %arg8[%dma_start3A_247, %dma_start3A_248] : memref<2x4096xf32, #tpu.memory_space<vmem>> -> memref<1x4096xf32, #tpu.memory_space<vmem>>
    %dma_start3A_250 = tpu.memref_squeeze %dma_start3A_249 : memref<1x4096xf32, #tpu.memory_space<vmem>> -> memref<4096xf32, #tpu.memory_space<vmem>>
    %dma_start3A_251 = arith.constant 12288 : i32
    %dma_start3A_252 = tpu.memref_slice %arg2[%add3A_154, %dma_start3A_251] : memref<64x16384xf32, #tpu.memory_space<hbm>> -> memref<1x4096xf32, #tpu.memory_space<hbm>>
    %dma_start3A_253 = tpu.memref_squeeze %dma_start3A_252 : memref<1x4096xf32, #tpu.memory_space<hbm>> -> memref<4096xf32, #tpu.memory_space<hbm>>
    %dma_start3A_254 = arith.constant 0 : i32
    %dma_start3A_255 = tpu.memref_slice %arg8[%dma_start3A_247, %dma_start3A_254] : memref<2x4096xf32, #tpu.memory_space<vmem>> -> memref<1x4096xf32, #tpu.memory_space<vmem>>
    %dma_start3A_256 = tpu.memref_squeeze %dma_start3A_255 : memref<1x4096xf32, #tpu.memory_space<vmem>> -> memref<4096xf32, #tpu.memory_space<vmem>>
    %dma_start3A_257 = arith.constant 12288 : i32
    %dma_start3A_258 = tpu.memref_slice %arg2[%add3A_154, %dma_start3A_257] : memref<64x16384xf32, #tpu.memory_space<hbm>> -> memref<1x4096xf32, #tpu.memory_space<hbm>>
    %dma_start3A_259 = tpu.memref_squeeze %dma_start3A_258 : memref<1x4096xf32, #tpu.memory_space<hbm>> -> memref<4096xf32, #tpu.memory_space<hbm>>
    tpu.enqueue_dma source(%dma_start3A_259 : memref<4096xf32, #tpu.memory_space<hbm>>) target(%dma_start3A_256 : memref<4096xf32, #tpu.memory_space<vmem>>) target_semaphore(%arg12 : memref<!tpu.dma_semaphore, #tpu.memory_space<semaphore_mem>>)
    %parallel_loop3A_260 = arith.constant 0 : i32
    %parallel_loop3A_261 = arith.constant 256 : i32
    %parallel_loop3A_262 = arith.constant 1 : i32
    %parallel_loop3A_263:4 = scf.for %parallel_loop3A_288 = %parallel_loop3A_260 to %parallel_loop3A_261 step %parallel_loop3A_262 iter_args(%parallel_loop3A_289 = %parallel_loop3A_233#0, %parallel_loop3A_290 = %parallel_loop3A_233#1, %parallel_loop3A_291 = %parallel_loop3A_233#2, %parallel_loop3A_292 = %parallel_loop3A_233#3) -> (vector<16xf32>, vector<16xf32>, vector<16xf32>, vector<16xf32>)  : i32 {
      %parallel_loop3A_293 = arith.constant 16 : i32
      %parallel_loop3A_294 = arith.muli %parallel_loop3A_288, %parallel_loop3A_293 : i32
      %parallel_loop3A_295 = arith.constant 8192 : i32
      %parallel_loop3A_296 = arith.addi %parallel_loop3A_295, %parallel_loop3A_294 : i32
      %parallel_loop3A_297 = arith.index_cast %parallel_loop3A_296 : i32 to index
      %parallel_loop3A_298 = tpu.vector_load %arg7[%parallel_loop3A_297] {strides = array<i32>} : memref<16384xi32, #tpu.memory_space<vmem>>, vector<16xi32>,
      %parallel_loop3A_299 = tpu.vector_load_idx %arg6[%parallel_loop3A_298] : memref<100000xf32, #tpu.memory_space<vmem>>[vector<16xi32>], vector<16xf32>,
      %parallel_loop3A_300 = arith.constant 0 : i32
      %parallel_loop3A_301 = arith.index_cast %parallel_loop3A_300 : i32 to index
      %parallel_loop3A_302 = arith.index_cast %parallel_loop3A_294 : i32 to index
      %parallel_loop3A_303 = tpu.vector_load %arg8[%parallel_loop3A_301, %parallel_loop3A_302] {strides = array<i32>} : memref<2x4096xf32, #tpu.memory_space<vmem>>, vector<16xf32>,
      %parallel_loop3A_304 = arith.subf %parallel_loop3A_303, %parallel_loop3A_299 : vector<16xf32>
      %parallel_loop3A_305 = arith.mulf %parallel_loop3A_304, %parallel_loop3A_304 : vector<16xf32>
      %parallel_loop3A_306 = arith.addf %parallel_loop3A_289, %parallel_loop3A_305 : vector<16xf32>
      scf.yield %parallel_loop3A_290, %parallel_loop3A_291, %parallel_loop3A_292, %parallel_loop3A_306 : vector<16xf32>, vector<16xf32>, vector<16xf32>, vector<16xf32>
    } {sc.loop_unroll_factor = 8 : i64, sc.parallel_access}
    %dma_wait3A_264 = arith.constant 1 : i32
    %dma_wait3A_265 = arith.constant 0 : i32
    %dma_wait3A_266 = tpu.memref_slice %arg8[%dma_wait3A_264, %dma_wait3A_265] : memref<2x4096xf32, #tpu.memory_space<vmem>> -> memref<1x4096xf32, #tpu.memory_space<vmem>>
    %dma_wait3A_267 = tpu.memref_squeeze %dma_wait3A_266 : memref<1x4096xf32, #tpu.memory_space<vmem>> -> memref<4096xf32, #tpu.memory_space<vmem>>
    %dma_wait3A_268 = arith.constant 12288 : i32
    %dma_wait3A_269 = tpu.memref_slice %arg2[%add3A_154, %dma_wait3A_268] : memref<64x16384xf32, #tpu.memory_space<hbm>> -> memref<1x4096xf32, #tpu.memory_space<hbm>>
    %dma_wait3A_270 = tpu.memref_squeeze %dma_wait3A_269 : memref<1x4096xf32, #tpu.memory_space<hbm>> -> memref<4096xf32, #tpu.memory_space<hbm>>
    %dma_wait3A_271 = arith.constant 0 : i32
    %dma_wait3A_272 = tpu.memref_slice %arg8[%dma_wait3A_264, %dma_wait3A_271] : memref<2x4096xf32, #tpu.memory_space<vmem>> -> memref<1x4096xf32, #tpu.memory_space<vmem>>
    %dma_wait3A_273 = tpu.memref_squeeze %dma_wait3A_272 : memref<1x4096xf32, #tpu.memory_space<vmem>> -> memref<4096xf32, #tpu.memory_space<vmem>>
    %dma_wait3A_274 = arith.constant 12288 : i32
    %dma_wait3A_275 = tpu.memref_slice %arg2[%add3A_154, %dma_wait3A_274] : memref<64x16384xf32, #tpu.memory_space<hbm>> -> memref<1x4096xf32, #tpu.memory_space<hbm>>
    %dma_wait3A_276 = tpu.memref_squeeze %dma_wait3A_275 : memref<1x4096xf32, #tpu.memory_space<hbm>> -> memref<4096xf32, #tpu.memory_space<hbm>>
    tpu.wait_dma2 semaphore(%arg12 : memref<!tpu.dma_semaphore, #tpu.memory_space<semaphore_mem>>) src(%dma_wait3A_276 : memref<4096xf32, #tpu.memory_space<hbm>>) dst(%dma_wait3A_273 : memref<4096xf32, #tpu.memory_space<vmem>>)
    %parallel_loop3A_277 = arith.constant 0 : i32
    %parallel_loop3A_278 = arith.constant 256 : i32
    %parallel_loop3A_279 = arith.constant 1 : i32
    %parallel_loop3A_280:4 = scf.for %parallel_loop3A_288 = %parallel_loop3A_277 to %parallel_loop3A_278 step %parallel_loop3A_279 iter_args(%parallel_loop3A_289 = %parallel_loop3A_263#0, %parallel_loop3A_290 = %parallel_loop3A_263#1, %parallel_loop3A_291 = %parallel_loop3A_263#2, %parallel_loop3A_292 = %parallel_loop3A_263#3) -> (vector<16xf32>, vector<16xf32>, vector<16xf32>, vector<16xf32>)  : i32 {
      %parallel_loop3A_293 = arith.constant 16 : i32
      %parallel_loop3A_294 = arith.muli %parallel_loop3A_288, %parallel_loop3A_293 : i32
      %parallel_loop3A_295 = arith.constant 12288 : i32
      %parallel_loop3A_296 = arith.addi %parallel_loop3A_295, %parallel_loop3A_294 : i32
      %parallel_loop3A_297 = arith.index_cast %parallel_loop3A_296 : i32 to index
      %parallel_loop3A_298 = tpu.vector_load %arg7[%parallel_loop3A_297] {strides = array<i32>} : memref<16384xi32, #tpu.memory_space<vmem>>, vector<16xi32>,
      %parallel_loop3A_299 = tpu.vector_load_idx %arg6[%parallel_loop3A_298] : memref<100000xf32, #tpu.memory_space<vmem>>[vector<16xi32>], vector<16xf32>,
      %parallel_loop3A_300 = arith.constant 1 : i32
      %parallel_loop3A_301 = arith.index_cast %parallel_loop3A_300 : i32 to index
      %parallel_loop3A_302 = arith.index_cast %parallel_loop3A_294 : i32 to index
      %parallel_loop3A_303 = tpu.vector_load %arg8[%parallel_loop3A_301, %parallel_loop3A_302] {strides = array<i32>} : memref<2x4096xf32, #tpu.memory_space<vmem>>, vector<16xf32>,
      %parallel_loop3A_304 = arith.subf %parallel_loop3A_303, %parallel_loop3A_299 : vector<16xf32>
      %parallel_loop3A_305 = arith.mulf %parallel_loop3A_304, %parallel_loop3A_304 : vector<16xf32>
      %parallel_loop3A_306 = arith.addf %parallel_loop3A_289, %parallel_loop3A_305 : vector<16xf32>
      scf.yield %parallel_loop3A_290, %parallel_loop3A_291, %parallel_loop3A_292, %parallel_loop3A_306 : vector<16xf32>, vector<16xf32>, vector<16xf32>, vector<16xf32>
    } {sc.loop_unroll_factor = 8 : i64, sc.parallel_access}
    %add3A_281 = arith.addf %parallel_loop3A_280#0, %parallel_loop3A_280#1 : vector<16xf32>
    %add3A_282 = arith.addf %parallel_loop3A_280#2, %parallel_loop3A_280#3 : vector<16xf32>
    %add3A_283 = arith.addf %add3A_281, %add3A_282 : vector<16xf32>
    %mul3A_284 = arith.constant 3.05175781E-5 : f32
    %mul3A_285 = vector.broadcast %mul3A_284 : f32 to vector<16xf32>
    %mul3A_286 = arith.mulf %add3A_283, %mul3A_285 : vector<16xf32>
    %swap3A = arith.constant 0 : index
    %swap3A_287 = tpu.vector_load %arg9[%swap3A] {strides = array<i32>} : memref<16xf32, #tpu.memory_space<vmem>>, vector<16xf32>,
    tpu.vector_store %arg9[%swap3A], %mul3A_286 {strides = array<i32>} : memref<16xf32, #tpu.memory_space<vmem>>, vector<16xf32>,
    "tpu.region"() ({
      %run_scoped3A = tpu.sem_alloc : memref<!tpu.dma_semaphore, #tpu.memory_space<semaphore_mem>>
      %dma_start3A_288 = arith.constant 0 : i32
      %dma_start3A_289 = tpu.memref_slice %arg5[%add3A, %dma_start3A_288] : memref<32x16xf32, #tpu.memory_space<hbm>> -> memref<1x16xf32, #tpu.memory_space<hbm>>
      %dma_start3A_290 = tpu.memref_squeeze %dma_start3A_289 : memref<1x16xf32, #tpu.memory_space<hbm>> -> memref<16xf32, #tpu.memory_space<hbm>>
      %dma_start3A_291 = arith.constant 0 : i32
      %dma_start3A_292 = tpu.memref_slice %arg5[%add3A, %dma_start3A_291] : memref<32x16xf32, #tpu.memory_space<hbm>> -> memref<1x16xf32, #tpu.memory_space<hbm>>
      %dma_start3A_293 = tpu.memref_squeeze %dma_start3A_292 : memref<1x16xf32, #tpu.memory_space<hbm>> -> memref<16xf32, #tpu.memory_space<hbm>>
      tpu.enqueue_dma source(%arg9 : memref<16xf32, #tpu.memory_space<vmem>>) target(%dma_start3A_293 : memref<16xf32, #tpu.memory_space<hbm>>) target_semaphore(%run_scoped3A : memref<!tpu.dma_semaphore, #tpu.memory_space<semaphore_mem>>)
      %dma_wait3A_294 = arith.constant 0 : i32
      %dma_wait3A_295 = tpu.memref_slice %arg5[%add3A, %dma_wait3A_294] : memref<32x16xf32, #tpu.memory_space<hbm>> -> memref<1x16xf32, #tpu.memory_space<hbm>>
      %dma_wait3A_296 = tpu.memref_squeeze %dma_wait3A_295 : memref<1x16xf32, #tpu.memory_space<hbm>> -> memref<16xf32, #tpu.memory_space<hbm>>
      %dma_wait3A_297 = arith.constant 0 : i32
      %dma_wait3A_298 = tpu.memref_slice %arg5[%add3A, %dma_wait3A_297] : memref<32x16xf32, #tpu.memory_space<hbm>> -> memref<1x16xf32, #tpu.memory_space<hbm>>
      %dma_wait3A_299 = tpu.memref_squeeze %dma_wait3A_298 : memref<1x16xf32, #tpu.memory_space<hbm>> -> memref<16xf32, #tpu.memory_space<hbm>>
      tpu.wait_dma2 semaphore(%run_scoped3A : memref<!tpu.dma_semaphore, #tpu.memory_space<semaphore_mem>>) src(%arg9 : memref<16xf32, #tpu.memory_space<vmem>>) dst(%dma_wait3A_299 : memref<16xf32, #tpu.memory_space<hbm>>)
      tpu.yield
    }) : () -> ()
    return
  }
}

</mosaic_0001>

<sc_bundles>
// kernel: kernel.3.cloned.1.call-start
scs
__scs_entry_jumppad:
0x0: {  	(pc) =	sbr.rel $0x88, $3  }
0x1: {  	(tag) =	ssettag $0x0;
	lr =	simm.s32 $0x1  }
0x2: {  	[smem:$0x3F9E] =	sst lr;
	_ =	strace $0xD0000000  }
0x3: {  	_ = 	snop  }
0x4: {  	_ = 	snop  }
0x5: {  	_ = 	snop  }
0x6: {  	_ = 	snop  }
0x7: {  	_ = 	snop  }
__scs_overlays_trampoline_lowered:
0x8: {  	[smem:$0x3FAD] =	sst s0  }
0x9: {  	[smem:$0x3FAE] =	sst s1  }
0xa: {  	[smem:$0x3FAF] =	sst s2  }
0xb: {  	[smem:$0x3FB0] =	sst s3  }
0xc: {  	[smem:$0x3FB1] =	sst s4  }
0xd: {  	[smem:$0x3FB2] =	sst s5  }
0xe: {  	[smem:$0x3FB3] =	sst s6  }
0xf: {  	[smem:$0x3FB4] =	sst s7  }
0x10: {  	[smem:$0x3FB5] =	sst s8  }
0x11: {  	[smem:$0x3FB6] =	sst s9;
	s0 =	simm.s32 @!p0 $0x0  }
0x12: {  	s1 =	sld [smem:$0x3F9C];
	s0 =	simm.s32 @p0 $0x1  }
0x13: {  	[smem:$0x3FB7] =	sst s0;
	s0 =	simm.s32 @!p1 $0x0  }
0x14: {  	s2 =	sld [smem:$0x3F9B];
	s0 =	simm.s32 @p1 $0x1  }
0x15: {  	[smem:$0x3FB8] =	sst s0;
	s0 =	simm.s32 @!p2 $0x0  }
0x16: {  	s3 =	sld [smem:$0x3FDB];
	s0 =	simm.s32 @p2 $0x1  }
0x17: {  	s4 =	simm.s32 $0x1BF5;
	[smem:$0x3FBA] =	sst s0  }
0x18: {  	s0 =	sld [smem:$0x3F9D];
	_ =	swait.ge [sflag:s4], $0x0  }
0x19: {  	s7 =	sld [smem:$0x3F9E]  }
0x1a: {  	s8 =	sadd.s32 $0xFFFFE003, lr  }
0x1b: {  	s9 =	sadd.s32 $0xFFFFFEF7, lr;
	s5 =	simm.s32 $0xFFFFFFFF;
	p2 =	slt.u32 s8, $0xFFFFF086  }
0x1c: {  	p1 =	slt.u32 s9, $0xF7A;
	s5 =	simm.s32 @!p2 $0x0  }
0x1d: {  	s5 =	simm.s32 @p1 $0x1;
	p0 =	seq.s32 s7, s2  }
0x1e: {  	s7 =	smul.u32 @!p0 $0xF7A, s2;
	p2 =	seq.s32 @!p0 s5, $0x0  }
0x1f: {  	s9 =	smul.u32 $0xF7A, s1;
	s8 =	simm.s32 @!p0 $0x1BF5;
	p2 =	por !p2, p0  }
0x20: {  	[sflag:s8] =	ssyncset.s32 @!p0 $0xFFFFF086;
	s6 =	sadd.s32 @!p0 s3, s7;
	s7 =	simm.s32 @!p0 $0x108  }
0x21: {  	s3 =	sadd.s32 s3, s9;
	s6 =	sadd.s32 @!p0 $0x88, s6;
	s7 =	simm.s32 @p2 $0x1082  }
0x22: {  	[simem:s7], [sflag:s8] =	dma.local @!p0 [hbm:s6], $0xF7A  }
0x23: {  	s9 =	sor.u32 $0xD0000000, s2;
	s6 =	simm.s32 $0x108;
	_ =	swait.ge @!p0 [sflag:s8], $0x0  }
0x24: {  	s3 =	sadd.s32 $0x88, s3;
	s6 =	simm.s32 @!p1 $0x1082;
	[sflag:s4] =	ssyncset.s32 $0xFFFFF086  }
0x25: {  	[simem:s6], [sflag:s4] =	dma.local [hbm:s3], $0xF7A  }
0x26: {  	[smem:$0x3F9E] =	sst s1;
	(tag) =	ssettag s2;
	_ =	strace s9  }
0x27: {  	s1 =	sld [smem:$0x3FAE]  }
0x28: {  	s2 =	sld [smem:$0x3FAF]  }
0x29: {  	s4 =	sld [smem:$0x3FB1]  }
0x2a: {  	p0 =	seq.s32 s5, $0x0;
	s5 =	sld [smem:$0x3FB2]  }
0x2b: {  	s6 =	sld [smem:$0x3FB3]  }
0x2c: {  	s7 =	sld [smem:$0x3FB4]  }
0x2d: {  	s3 =	simm.s32 $0x108;
	s8 =	sld [smem:$0x3FB5]  }
0x2e: {  	s3 =	simm.s32 @!p0 $0x1082;
	s9 =	sld [smem:$0x3FB6]  }
0x2f: {  	lr =	sadd.s32 s0, s3;
	s0 =	sld [smem:$0x3FAD]  }
0x30: {  	s3 =	sld [smem:$0x3FB0]  }
0x31: {  	[smem:$0x3FB9] =	sst s10  }
0x32: {  	s10 =	sld [smem:$0x3FB7];
	_ =	sdelay $0x3  }
0x33: {  	p0 =	seq.s32 s10, $0x1;
	s10 =	sld [smem:$0x3FB9];
	_ =	sdelay $0x3  }
0x34: {  	[smem:$0x3FB9] =	sst s10  }
0x35: {  	s10 =	sld [smem:$0x3FB8];
	_ =	sdelay $0x3  }
0x36: {  	p1 =	seq.s32 s10, $0x1;
	s10 =	sld [smem:$0x3FB9];
	_ =	sdelay $0x3  }
0x37: {  	[smem:$0x3FB9] =	sst s10  }
0x38: {  	s10 =	sld [smem:$0x3FBA]  }
0x39: {  	_ = 	snop;
	(pc) =	sbr.ind lr, $3  }
0x3a: {  	_ = 	snop  }
0x3b: {  	_ = 	snop  }
0x3c: {  	p2 =	seq.s32 s10, $0x1;
	s10 =	sld [smem:$0x3FB9]  }
0x3d: {  	_ =	shalt  }
0x3e: {  	_ =	shalt  }
0x3f: {  	_ =	shalt  }
0x40: {  	_ =	shalt  }
0x41: {  	_ =	shalt  }
0x42: {  	_ =	shalt  }
0x43: {  	_ =	shalt  }
0x44: {  	_ =	shalt  }
0x45: {  	_ =	shalt  }
0x46: {  	_ =	shalt  }
0x47: {  	_ =	shalt  }
0x48: {  	_ =	shalt  }
0x49: {  	_ =	shalt  }
0x4a: {  	_ =	shalt  }
0x4b: {  	_ =	shalt  }
0x4c: {  	_ =	shalt  }
0x4d: {  	_ =	shalt  }
0x4e: {  	_ =	shalt  }
0x4f: {  	_ =	shalt  }
0x50: {  	_ =	shalt  }
0x51: {  	_ =	shalt  }
0x52: {  	_ =	shalt  }
0x53: {  	_ =	shalt  }
0x54: {  	_ =	shalt  }
0x55: {  	_ =	shalt  }
0x56: {  	_ =	shalt  }
0x57: {  	_ =	shalt  }
0x58: {  	_ =	shalt  }
0x59: {  	_ =	shalt  }
0x5a: {  	_ =	shalt  }
0x5b: {  	_ =	shalt  }
0x5c: {  	_ =	shalt  }
0x5d: {  	_ =	shalt  }
0x5e: {  	_ =	shalt  }
0x5f: {  	_ =	shalt  }
0x60: {  	_ =	shalt  }
0x61: {  	_ =	shalt  }
0x62: {  	_ =	shalt  }
0x63: {  	_ =	shalt  }
0x64: {  	_ =	shalt  }
0x65: {  	_ =	shalt  }
0x66: {  	_ =	shalt  }
0x67: {  	_ =	shalt  }
0x68: {  	_ =	shalt  }
0x69: {  	_ =	shalt  }
0x6a: {  	_ =	shalt  }
0x6b: {  	_ =	shalt  }
0x6c: {  	_ =	shalt  }
0x6d: {  	_ =	shalt  }
0x6e: {  	_ =	shalt  }
0x6f: {  	_ =	shalt  }
0x70: {  	_ =	shalt  }
0x71: {  	_ =	shalt  }
0x72: {  	_ =	shalt  }
0x73: {  	_ =	shalt  }
0x74: {  	_ =	shalt  }
0x75: {  	_ =	shalt  }
0x76: {  	_ =	shalt  }
0x77: {  	_ =	shalt  }
0x78: {  	_ =	shalt  }
0x79: {  	_ =	shalt  }
0x7a: {  	_ =	shalt  }
0x7b: {  	_ =	shalt  }
0x7c: {  	_ =	shalt  }
0x7d: {  	_ =	shalt  }
0x7e: {  	_ =	shalt  }
0x7f: {  	_ =	shalt  }
0x80: {  	_ =	shalt  }
0x81: {  	_ =	shalt  }
0x82: {  	_ =	shalt  }
0x83: {  	_ =	shalt  }
0x84: {  	_ =	shalt  }
0x85: {  	_ =	shalt  }
0x86: {  	_ =	shalt  }
0x87: {  	_ =	shalt  }
.Lfunc_end0:
.L_simem_size_0:
called_computation_lowered:
.L_overlay_start_0:
0x88: {  	s2 =	sld [smem:$0x3FD9]  }
0x89: {  	s3 =	sld [smem:$0x3FFE];
	_ =	sdelay $0x1  }
0x8a: {  	s1 =	srdreg.scid  }
0x8b: {  	s0 =	sand.u32 $0x1, s1  }
0x8c: {  	s17 =	sshll.u32 s0, $0xA;
	s2 =	sadd.s32 s3, s2  }
0x8d: {  	s2 =	sadd.s32 s2, s17  }
0x8e: {  	[smem:$0x3FC5] =	sst s2  }
0x8f: {  	_ = 	snop  }
0x90: {  	s2 =	sld [smem:$0x3FC9]  }
0x91: {  	s18 =	sld [smem:$0x3FC8]  }
0x92: {  	s4 =	sld [smem:$0x3FC7];
	(tm) =	ssettm $0x1  }
0x93: {  	s5 =	sld [smem:$0x3FFB];
	_ =	sdelay $0x3  }
0x94: {  	_ =	strace s5  }
0x95: {  	s5 =	sld [smem:$0x3FFC];
	_ =	sdelay $0x3  }
0x96: {  	_ =	strace s5  }
0x97: {  	s5 =	sld [smem:$0x3FFD];
	_ =	sdelay $0x3  }
0x98: {  	_ =	strace s5  }
0x99: {  	_ =	strace $0x8FFFFFFF  }
0x9a: {  	s19 =	sld [smem:$0x3FDB];
	_ =	sdelay $0x1  }
0x9b: {  	s6 =	simm.s32 $_scs_section_size  }
0x9c: {  	s7 =	simm.s32 $_size__tile_overlayer_lowered;
	s8 =	simm.s32 $_tile_overlayer_lowered  }
0x9d: {  	s22 =	simm.s32 $0x1BFF;
	s21 =	sshll.u32 s8, $0x1;
	s5 =	sadd.s32 s6, s19  }
0x9e: {  	s9 =	simm.s32 $0x0;
	s20 =	sshll.u32 s7, $0x1;
	s7 =	sadd.s32 s21, s5  }
0x9f: {  	[timem:s9], [sflag:s22] =	dma.local [hbm:s7], s20  }
0xa0: {  	_ =	swait.ge [sflag:s22], s20  }
0xa1: {  	s6 =	ssub.s32 $0x0, s20;
	[sflag:s22] =	ssyncset.done $0x0  }
0xa2: {  	[sflag:s22] =	ssyncadd.s32 s6;
	_ =	sdelay $0x1  }
0xa3: {  	s23 =	simm.s32 $0x1B8B  }
0xa4: {  	_ =	swait.ge [sflag:s23], $0x1  }
0xa5: {  	[sflag:s23] =	ssyncset.done $0x0  }
0xa6: {  	s25 =	simm.s32 $0x1B8E;
	s24 =	sld [smem:$0x3FFE];
	[sflag:s23] =	ssyncadd.s32 $0xFFFFFFFF  }
0xa7: {  	s26 =	simm.s32 $execute0_lowered;
	[smem:$0x3FD2] =	sst s25  }
0xa8: {  	s7 =	sshll.u32 s26, $0x1;
	_ =	strace $0x80000046;
	[dreg:$0x1] =	wrdreg $0xFFFFFFFF  }
0xa9: {  	s28 =	simm.s32 $_size_execute0_lowered;
	s5 =	sadd.s32 s5, s7;
	[dreg:$0x0] =	wrdreg $0x0  }
0xaa: {  	s7 =	sshll.u32 s28, $0x1;
	[dreg:$0x2] =	wrdreg s5  }
0xab: {  	[dreg:$0x3] =	wrdreg s7  }
0xac: {  	[dreg:$0x4] =	wrdreg $0xC0  }
0xad: {  	_ =	task [dreg:s9], $0x5FFFF  }
0xae: {  	[dreg:$0x1] =	wrdreg $0xFFFFFFFF  }
0xaf: {  	[dreg:$0x0] =	wrdreg $0x60  }
0xb0: {  	[dreg:$0x2] =	wrdreg s2  }
0xb1: {  	[dreg:$0x3] =	wrdreg s18  }
0xb2: {  	[dreg:$0x4] =	wrdreg s4  }
0xb3: {  	[dreg:$0x5] =	wrdreg s24  }
0xb4: {  	[dreg:$0x6] =	wrdreg $0x9  }
0xb5: {  	_ =	task.clear_ibuf [dreg:s9], $0x7FFFF;
	_ =	strace $0x90000046  }
0xb6: {  	s29 =	simm.s32 $0x9;
	_ =	strace $0x80000048  }
0xb7: {  	_ =	swait.ge [sflag:s29], $0x1  }
0xb8: {  	[sflag:s29] =	ssyncadd.s32 $0xFFFFFFFF  }
0xb9: {  	_ =	strace $0x90000048  }
0xba: {  	_ =	sfence  }
0xbb: {  	s30 =	sld [smem:$0x0];
	_ =	sdelay $0x2  }
0xbc: {  	s31 =	sshll.u32 s1, $0xD;
	s1 =	sshrl.u32 s1, $0x2  }
0xbd: {  	s3 =	sand.u32 $0x4000, s31;
	s1 =	sadd.s32 s1, s30  }
0xbe: {  	s0 =	sor.u32 s3, s0;
	s1 =	sshll.u32 s1, $0x11  }
0xbf: {  	s0 =	sor.u32 s1, s0  }
0xc0: {  	s0 =	sadd.s32 $0x8F2B, s0  }
0xc1: {  	[sflag:s0] =	ssyncadd.remote.s32 $0x1  }
0xc2: {  	_ =	sfence.sel $0xFFFF  }
0xc3: {  	[dreg:$0x0] =	wrdreg $0xFFFFFFFF;
	(pc) =	sbr.abs _section_cstart, $3  }
0xc4: {  	[dreg:$0x1] =	wrdreg $0xFFFFFFFF  }
0xc5: {  	_ =	task.clear_ibuf [dreg:s9], $0x2FFFF;
	_ =	strace $0x9FFFFFFF  }
0xc6: {  	(tm) =	ssettm $0x7FFFFFFF  }
0xc7: {  	_ =	shalt  }
tec
execute0_lowered:
.L_overlay_start_1:
0x0: {  	(tag) =	ssettag $0x1  }
0x1: {  	s10 =	rddreg [dreg:$0x0]  }
0x2: {  	s1 =	rddreg [dreg:$0x1]  }
0x3: {  	s9 =	rddreg [dreg:$0x2]  }
0x4: {  	s14 =	rddreg [dreg:$0x3]  }
0x5: {  	s0 =	rddreg [dreg:$0x4]  }
0x6: {  	s4 =	srdreg.scid;
	s2 =	stileid.u32  }
0x7: {  	s3 =	simm.s32 $0x0;
	s21 =	simm.s32 $0x3;
	s22 =	simm.s32 $0x1E700  }
0x8: {  	s23 =	simm.s32 $0x4;
	s24 =	simm.s32 $0x0;
	s4 =	sand.u32 $0x1, s4  }
0x9: {  	s5 =	sshll.u32 s2, $0x1;
	[smem:$0x7FF] =	sst s3;
	s26 =	sshrl.u32 s2, $0x1  }
0xa: {  	s16 =	sadd.s32 $0x1000, s10;
	s17 =	sadd.s32 $0x2000, s10;
	s30 =	sadd.s32 $0x3000, s10  }
0xb: {  	s13 =	sor.u32 s4, s5;
	_ =	strace $0x80000047;
	s8 =	smul.u32 $0xC3800, s26  }
0xc: {  	s4 =	ssub.s32 $0x2, s4;
	s11 =	sshll.u32 s26, $0x11;
	s6 =	sshll.u32 s13, $0x8  }
0xd: {  	s28 =	sshrl.u32 s4, $0x1;
	s31 =	sshll.u32 s13, $0x4;
	s7 =	sand.u32 $0x300, s6  }
0xe: {  	s15 =	ssub.s32 s4, s28;
	s14 =	sadd.s32 s14, s31;
	s6 =	sor.u32 s8, s7  }
0xf: {  	s12 =	sor.u32 s11, s7;
	s18 =	sor.u32 $0x80, s7;
	s15 =	smax.u32 s15, $0x1  }
0x10: {  	s29 =	sshrl.u32 s6, $0x3;
	s12 =	sshrl.u32 s12, $0x3;
	s8 =	sor.u32 s8, s18  }
0x11: {  	s11 =	sor.u32 s11, s18;
	s18 =	simm.s32 $0x400;
	s4 =	sadd.s32 s9, s29  }
0x12: {  	s5 =	sadd.s32 s10, s12;
	s6 =	sadd.s32 s12, s16;
	s7 =	sadd.s32 s12, s17  }
0x13: {  	s19 =	sshrl.u32 s8, $0x3;
	s20 =	sshrl.u32 s11, $0x3;
	s8 =	sadd.s32 s12, s30  }
0x14: {  	s9 =	sadd.s32 s9, s19;
	s10 =	sadd.s32 s10, s20;
	s11 =	sadd.s32 s20, s16  }
0x15: {  	s12 =	sadd.s32 s20, s17;
	s13 =	sadd.s32 s20, s30;
	s16 =	simm.s32 $0x18700  }
0x16: {  	s17 =	simm.s32 $0x80;
	s19 =	simm.s32 $0x2;
	s20 =	simm.s32 $0x1  }
.LBB2_1:
0x17: {  	[tilespmem:s16], [sflag:$0x2] =	stream.linear.gather [hbm4b:s1+s3], $0x4000, $0x38;
	[tilespmem:$0x1E780] =	vst v63  }
0x18: {  	_ = 	snop  }
0x19: {  	[tilespmem:s3], [sflag:$0x1] =	stream.strided.gather [hbm4b:s4+s17], $0x18700, s18, s17, $0x38;
	[tilespmem:$0x1E780] =	vst v63  }
0x1a: {  	_ =	swait.ge [sflag:s19], $0x4000  }
0x1b: {  	s25 =	simm.s32 $0x1C700;
	s26 =	simm.s32 $0x80;
	[sflag:s19] =	ssyncset.done $0x0  }
0x1c: {  	s29 =	sadd.s32 $0x0, s5;
	s28 =	simm.s32 $0x1C800;
	[sflag:s19] =	ssyncadd.s32 $0xFFFFC000  }
.LBB2_2:
0x1d: {  	[tilespmem:s25], [sflag:$0x3] =	stream.linear.gather [hbm4b:s29+s3], $0x80, $0x38;
	[tilespmem:$0x1E780] =	vst v63  }
0x1e: {  	s29 =	smov.u32 s26;
	s25 =	smov.u32 s28;
	p0 =	sne.s32 s26, $0xF80  }
.Ltmp0:
0x1f: {  	s26 =	sadd.s32 $0x80, s26;
	(pc) =	sbr.rel @p0 .LBB2_2-.Ltmp0, $2  }
0x20: {  	_ =	sdelay $0x2  }
0x21: {  	s28 =	sadd.s32 $0x100, s28;
	s29 =	sadd.s32 s29, s5  }
0x22: {  	[tilespmem:s25], [sflag:$0x3] =	stream.linear.gather [hbm4b:s29+s3], $0x80, $0x38;
	[tilespmem:$0x1E780] =	vst v63  }
0x23: {  	_ =	swait.ge [sflag:s20], $0x18700  }
0x24: {  	[sflag:s20] =	ssyncset.done $0x0  }
0x25: {  	[sflag:s20] =	ssyncadd.s32 $0xFFFE7900  }
0x26: {  	_ =	swait.ge [sflag:s21], $0x1000  }
0x27: {  	[sflag:s21] =	ssyncset.done $0x0  }
0x28: {  	s25 =	simm.s32 $0x0;
	s26 =	simm.s32 $0x1C780;
	[sflag:s21] =	ssyncadd.s32 $0xFFFFF000  }
.LBB2_4:
0x29: {  	p0 =	sne.s32 s25, $0xF80  }
.Ltmp1:
0x2a: {  	_ = 	snop;
	(pc) =	sbr.rel @p0 .LBB2_4-.Ltmp1, $4  }
0x2b: {  	_ = 	snop  }
0x2c: {  	s28 =	sadd.s32 s25, s6  }
0x2d: {  	[tilespmem:s26], [sflag:$0x3] =	stream.linear.gather [hbm4b:s28+s3], $0x80, $0x38;
	[tilespmem:$0x1E780] =	vst v63  }
0x2e: {  	s25 =	sadd.s32 $0x80, s25;
	s26 =	sadd.s32 $0x100, s26  }
0x2f: {  	s28 =	simm.s32 $0x1C740  }
0x30: {  	v7 =	vld [tilespmem:s28+$0x0]  }
0x31: {  	v0 =	vld [tilespmem:s28+$0x10]  }
0x32: {  	v1 =	vld [tilespmem:s28+$0x20]  }
0x33: {  	v2 =	vld [tilespmem:s28+$0xFFFFFFC0]  }
0x34: {  	v3 =	vld [tilespmem:s28+$0xFFFFFFD0]  }
0x35: {  	v4 =	vld [tilespmem:s28+$0xFFFFFFE0]  }
0x36: {  	s25 =	simm.s32 $0x18740;
	v6 =	vld [tilespmem:s28+$0xFFFFFFF0]  }
0x37: {  	v5 =	vld [tilespmem:s25+$0x0]  }
0x38: {  	v8 =	vld [tilespmem:s25+$0x10]  }
0x39: {  	v9 =	vld [tilespmem:s25+$0xFFFFFFC0]  }
0x3a: {  	v10 =	vld [tilespmem:s25+$0xFFFFFFD0]  }
0x3b: {  	v11 =	vld [tilespmem:s25+$0xFFFFFFE0]  }
0x3c: {  	v12 =	vld [tilespmem:s25+$0xFFFFFFF0]  }
0x3d: {  	v18 =	vld [tilespmem:s25+$0x20]  }
0x3e: {  	v19 =	vld [tilespmem:s25+$0x30]  }
0x3f: {  	v20 =	vld.idx.msk [tilespmem:v5+s3+$0x0], $0xffff  }
0x40: {  	v13 =	vld.idx.msk [tilespmem:v8+s3+$0x0], $0xffff  }
0x41: {  	v17 =	vld.idx.msk [tilespmem:v9+s3+$0x0], $0xffff  }
0x42: {  	v14 =	vld.idx.msk [tilespmem:v10+s3+$0x0], $0xffff  }
0x43: {  	v16 =	vld.idx.msk [tilespmem:v11+s3+$0x0], $0xffff  }
0x44: {  	v15 =	vld.idx.msk [tilespmem:v12+s3+$0x0], $0xffff  }
0x45: {  	v11 =	vld.idx.msk [tilespmem:v18+s3+$0x0], $0xffff  }
0x46: {  	v5 =	vimm.f32 $0.0e+00;
	v10 =	vld.idx.msk [tilespmem:v19+s3+$0x0], $0xffff;
	v9 =	vimm.f32 $0.0e+00  }
0x47: {  	s26 =	simm.s32 $0x0;
	v12 =	vld [tilespmem:s28+$0x30];
	s28 =	simm.s32 $0x1C840;
	v8 =	vimm.f32 $0.0e+00;
	v18 =	vsub.f32 v7, v20;
	v7 =	vimm.f32 $0.0e+00  }
.LBB2_6:
0x48: {  	v19 =	vld [tilespmem:s28+$0x0];
	v17 =	vsub.f32 v2, v17;
	v2 =	vsub.f32 v0, v13  }
0x49: {  	v3 =	vsub.f32 v3, v14;
	v4 =	vsub.f32 v4, v16;
	v0 =	vld [tilespmem:s28+$0x10]  }
0x4a: {  	v6 =	vsub.f32 v6, v15;
	v14 =	vmul.f32 v18, v18;
	v13 =	vld [tilespmem:s28+$0x20];
	v15 =	vmul.f32 v2, v2  }
0x4b: {  	v16 =	vmul.f32 v17, v17;
	v17 =	vmul.f32 v3, v3;
	v1 =	vsub.f32 v1, v11;
	v2 =	vld [tilespmem:s28+$0xFFFFFFC0]  }
0x4c: {  	v11 =	vmul.f32 v4, v4;
	v18 =	vmul.f32 v6, v6;
	v3 =	vld [tilespmem:s28+$0xFFFFFFD0];
	v10 =	vsub.f32 v12, v10  }
0x4d: {  	v5 =	vadd.f32 v16, v5;
	v9 =	vadd.f32 v17, v9;
	v12 =	vmul.f32 v1, v1;
	v4 =	vld [tilespmem:s28+$0xFFFFFFE0]  }
0x4e: {  	s25 =	sadd.s32 $0x80, s25;
	v7 =	vadd.f32 v11, v7;
	v8 =	vadd.f32 v18, v8;
	v6 =	vld [tilespmem:s28+$0xFFFFFFF0];
	v10 =	vmul.f32 v10, v10  }
0x4f: {  	v5 =	vadd.f32 v14, v5;
	v9 =	vadd.f32 v15, v9;
	v11 =	vld [tilespmem:s25+$0x0];
	v1 =	vmov v13  }
0x50: {  	v7 =	vadd.f32 v12, v7;
	v13 =	vld [tilespmem:s25+$0x10];
	v8 =	vadd.f32 v10, v8  }
0x51: {  	v10 =	vld [tilespmem:s25+$0xFFFFFFC0]  }
0x52: {  	v12 =	vld [tilespmem:s25+$0xFFFFFFD0]  }
0x53: {  	v15 =	vld [tilespmem:s25+$0xFFFFFFE0]  }
0x54: {  	s26 =	sadd.s32 $0x8, s26;
	v18 =	vld [tilespmem:s25+$0xFFFFFFF0]  }
0x55: {  	p0 =	slt.u32 s26, $0xF8;
	v20 =	vld [tilespmem:s25+$0x20]  }
0x56: {  	v21 =	vld [tilespmem:s25+$0x30]  }
0x57: {  	v22 =	vld.idx.msk [tilespmem:v11+s3+$0x0], $0xffff  }
0x58: {  	v13 =	vld.idx.msk [tilespmem:v13+s3+$0x0], $0xffff  }
0x59: {  	v17 =	vld.idx.msk [tilespmem:v10+s3+$0x0], $0xffff  }
0x5a: {  	v14 =	vld.idx.msk [tilespmem:v12+s3+$0x0], $0xffff  }
.Ltmp2:
0x5b: {  	v16 =	vld.idx.msk [tilespmem:v15+s3+$0x0], $0xffff;
	(pc) =	sbr.rel @p0 .LBB2_6-.Ltmp2, $4  }
0x5c: {  	v15 =	vld.idx.msk [tilespmem:v18+s3+$0x0], $0xffff  }
0x5d: {  	v11 =	vld.idx.msk [tilespmem:v20+s3+$0x0], $0xffff  }
0x5e: {  	v10 =	vld.idx.msk [tilespmem:v21+s3+$0x0], $0xffff  }
0x5f: {  	v18 =	vsub.f32 v19, v22;
	v12 =	vld [tilespmem:s28+$0x30];
	s28 =	sadd.s32 $0x100, s28  }
0x60: {  	v2 =	vsub.f32 v2, v17;
	v0 =	vsub.f32 v0, v13  }
0x61: {  	v3 =	vsub.f32 v3, v14;
	v4 =	vsub.f32 v4, v16  }
0x62: {  	v6 =	vsub.f32 v6, v15;
	v61 =	vmul.f32 v18, v18;
	v62 =	vmul.f32 v0, v0  }
0x63: {  	v0 =	vmul.f32 v2, v2;
	v2 =	vmul.f32 v3, v3;
	v1 =	vsub.f32 v1, v11  }
0x64: {  	v3 =	vmul.f32 v4, v4;
	v4 =	vmul.f32 v6, v6;
	v63 =	vsub.f32 v12, v10  }
0x65: {  	v0 =	vadd.f32 v0, v5;
	v2 =	vadd.f32 v2, v9;
	v5 =	vmul.f32 v1, v1  }
0x66: {  	_ =	swait.ge [sflag:s21], $0x1000;
	v3 =	vadd.f32 v3, v7;
	v4 =	vadd.f32 v4, v8;
	v6 =	vmul.f32 v63, v63  }
0x67: {  	[sflag:s21] =	ssyncset.done $0x0;
	v0 =	vadd.f32 v61, v0;
	v1 =	vadd.f32 v62, v2  }
0x68: {  	s25 =	simm.s32 $0x0;
	s26 =	simm.s32 $0x1C700;
	[sflag:s21] =	ssyncadd.s32 $0xFFFFF000;
	v2 =	vadd.f32 v5, v3;
	v3 =	vadd.f32 v6, v4  }
.LBB2_8:
0x69: {  	p0 =	sne.s32 s25, $0xF80  }
.Ltmp3:
0x6a: {  	_ = 	snop;
	(pc) =	sbr.rel @p0 .LBB2_8-.Ltmp3, $4  }
0x6b: {  	_ = 	snop  }
0x6c: {  	s28 =	sadd.s32 s25, s7  }
0x6d: {  	[tilespmem:s26], [sflag:$0x3] =	stream.linear.gather [hbm4b:s28+s3], $0x80, $0x38;
	[tilespmem:$0x1E780] =	vst v63  }
0x6e: {  	s25 =	sadd.s32 $0x80, s25;
	s26 =	sadd.s32 $0x100, s26  }
0x6f: {  	s28 =	simm.s32 $0x1C7F0  }
0x70: {  	v12 =	vld [tilespmem:s28+$0xFFFFFFD0]  }
0x71: {  	v4 =	vld [tilespmem:s28+$0xFFFFFFE0]  }
0x72: {  	v5 =	vld [tilespmem:s28+$0xFFFFFFF0]  }
0x73: {  	v6 =	vld [tilespmem:s28+$0xFFFFFF90]  }
0x74: {  	v7 =	vld [tilespmem:s28+$0xFFFFFFA0]  }
0x75: {  	v8 =	vld [tilespmem:s28+$0xFFFFFFB0]  }
0x76: {  	s25 =	simm.s32 $0x19770;
	v9 =	vld [tilespmem:s28+$0xFFFFFFC0]  }
0x77: {  	v10 =	vld [tilespmem:s25+$0xFFFFFFD0]  }
0x78: {  	v11 =	vld [tilespmem:s25+$0xFFFFFFE0]  }
0x79: {  	v14 =	vld [tilespmem:s25+$0xFFFFFF90]  }
0x7a: {  	v15 =	vld [tilespmem:s25+$0xFFFFFFA0]  }
0x7b: {  	v16 =	vld [tilespmem:s25+$0xFFFFFFB0]  }
0x7c: {  	v18 =	vld [tilespmem:s25+$0xFFFFFFC0]  }
0x7d: {  	v19 =	vld [tilespmem:s25+$0xFFFFFFF0]  }
0x7e: {  	v20 =	vld [tilespmem:s25+$0x0]  }
0x7f: {  	v21 =	vld.idx.msk [tilespmem:v10+s3+$0x0], $0xffff  }
0x80: {  	v13 =	vld.idx.msk [tilespmem:v11+s3+$0x0], $0xffff  }
0x81: {  	v17 =	vld.idx.msk [tilespmem:v14+s3+$0x0], $0xffff  }
0x82: {  	v14 =	vld.idx.msk [tilespmem:v15+s3+$0x0], $0xffff  }
0x83: {  	v16 =	vld.idx.msk [tilespmem:v16+s3+$0x0], $0xffff  }
0x84: {  	v15 =	vld.idx.msk [tilespmem:v18+s3+$0x0], $0xffff  }
0x85: {  	v11 =	vld.idx.msk [tilespmem:v19+s3+$0x0], $0xffff  }
0x86: {  	v10 =	vld.idx.msk [tilespmem:v20+s3+$0x0], $0xffff  }
0x87: {  	s26 =	simm.s32 $0x0;
	v18 =	vsub.f32 v12, v21;
	v12 =	vld [tilespmem:s28+$0x0];
	s28 =	simm.s32 $0x1C8F0  }
.LBB2_10:
0x88: {  	v19 =	vld [tilespmem:s28+$0xFFFFFFD0];
	v17 =	vsub.f32 v6, v17;
	v6 =	vsub.f32 v4, v13  }
0x89: {  	v7 =	vsub.f32 v7, v14;
	v8 =	vsub.f32 v8, v16;
	v4 =	vld [tilespmem:s28+$0xFFFFFFE0]  }
0x8a: {  	v9 =	vsub.f32 v9, v15;
	v14 =	vmul.f32 v18, v18;
	v13 =	vld [tilespmem:s28+$0xFFFFFFF0];
	v15 =	vmul.f32 v6, v6  }
0x8b: {  	v16 =	vmul.f32 v17, v17;
	v17 =	vmul.f32 v7, v7;
	v5 =	vsub.f32 v5, v11;
	v6 =	vld [tilespmem:s28+$0xFFFFFF90]  }
0x8c: {  	v11 =	vmul.f32 v8, v8;
	v18 =	vmul.f32 v9, v9;
	v7 =	vld [tilespmem:s28+$0xFFFFFFA0];
	v10 =	vsub.f32 v12, v10  }
0x8d: {  	v0 =	vadd.f32 v16, v0;
	v1 =	vadd.f32 v17, v1;
	v12 =	vmul.f32 v5, v5;
	v8 =	vld [tilespmem:s28+$0xFFFFFFB0]  }
0x8e: {  	s25 =	sadd.s32 $0x80, s25;
	v2 =	vadd.f32 v11, v2;
	v3 =	vadd.f32 v18, v3;
	v9 =	vld [tilespmem:s28+$0xFFFFFFC0];
	v10 =	vmul.f32 v10, v10  }
0x8f: {  	v0 =	vadd.f32 v14, v0;
	v1 =	vadd.f32 v15, v1;
	v11 =	vld [tilespmem:s25+$0xFFFFFFD0];
	v5 =	vmov v13  }
0x90: {  	v2 =	vadd.f32 v12, v2;
	v13 =	vld [tilespmem:s25+$0xFFFFFFE0];
	v3 =	vadd.f32 v10, v3  }
0x91: {  	v10 =	vld [tilespmem:s25+$0xFFFFFF90]  }
0x92: {  	v12 =	vld [tilespmem:s25+$0xFFFFFFA0]  }
0x93: {  	v15 =	vld [tilespmem:s25+$0xFFFFFFB0]  }
0x94: {  	s26 =	sadd.s32 $0x8, s26;
	v18 =	vld [tilespmem:s25+$0xFFFFFFC0]  }
0x95: {  	p0 =	slt.u32 s26, $0xF8;
	v20 =	vld [tilespmem:s25+$0xFFFFFFF0]  }
0x96: {  	v21 =	vld [tilespmem:s25+$0x0]  }
0x97: {  	v22 =	vld.idx.msk [tilespmem:v11+s3+$0x0], $0xffff  }
0x98: {  	v13 =	vld.idx.msk [tilespmem:v13+s3+$0x0], $0xffff  }
0x99: {  	v17 =	vld.idx.msk [tilespmem:v10+s3+$0x0], $0xffff  }
0x9a: {  	v14 =	vld.idx.msk [tilespmem:v12+s3+$0x0], $0xffff  }
.Ltmp4:
0x9b: {  	v16 =	vld.idx.msk [tilespmem:v15+s3+$0x0], $0xffff;
	(pc) =	sbr.rel @p0 .LBB2_10-.Ltmp4, $4  }
0x9c: {  	v15 =	vld.idx.msk [tilespmem:v18+s3+$0x0], $0xffff  }
0x9d: {  	v11 =	vld.idx.msk [tilespmem:v20+s3+$0x0], $0xffff  }
0x9e: {  	v10 =	vld.idx.msk [tilespmem:v21+s3+$0x0], $0xffff  }
0x9f: {  	v18 =	vsub.f32 v19, v22;
	v12 =	vld [tilespmem:s28+$0x0];
	s28 =	sadd.s32 $0x100, s28  }
0xa0: {  	v6 =	vsub.f32 v6, v17;
	v4 =	vsub.f32 v4, v13  }
0xa1: {  	v7 =	vsub.f32 v7, v14;
	v8 =	vsub.f32 v8, v16  }
0xa2: {  	v9 =	vsub.f32 v9, v15;
	v60 =	vmul.f32 v18, v18;
	v4 =	vmul.f32 v4, v4  }
0xa3: {  	v6 =	vmul.f32 v6, v6;
	v7 =	vmul.f32 v7, v7;
	v5 =	vsub.f32 v5, v11  }
0xa4: {  	v8 =	vmul.f32 v8, v8;
	v9 =	vmul.f32 v9, v9;
	v10 =	vsub.f32 v12, v10  }
0xa5: {  	v0 =	vadd.f32 v6, v0;
	v1 =	vadd.f32 v7, v1;
	v5 =	vmul.f32 v5, v5  }
0xa6: {  	_ =	swait.ge [sflag:s21], $0x1000;
	v61 =	vadd.f32 v8, v2;
	v62 =	vadd.f32 v9, v3;
	v63 =	vmul.f32 v10, v10  }
0xa7: {  	[sflag:s21] =	ssyncset.done $0x0;
	v3 =	vadd.f32 v60, v0;
	v2 =	vadd.f32 v4, v1  }
0xa8: {  	s25 =	simm.s32 $0x0;
	s26 =	simm.s32 $0x1C780;
	[sflag:s21] =	ssyncadd.s32 $0xFFFFF000;
	v1 =	vadd.f32 v5, v61;
	v0 =	vadd.f32 v63, v62  }
.LBB2_12:
0xa9: {  	p0 =	sne.s32 s25, $0xF80  }
.Ltmp5:
0xaa: {  	_ = 	snop;
	(pc) =	sbr.rel @p0 .LBB2_12-.Ltmp5, $4  }
0xab: {  	_ = 	snop  }
0xac: {  	s28 =	sadd.s32 s25, s8  }
0xad: {  	[tilespmem:s26], [sflag:$0x3] =	stream.linear.gather [hbm4b:s28+s3], $0x80, $0x38;
	[tilespmem:$0x1E780] =	vst v63  }
0xae: {  	s25 =	sadd.s32 $0x80, s25;
	s26 =	sadd.s32 $0x100, s26  }
0xaf: {  	s28 =	simm.s32 $0x1C740  }
0xb0: {  	v4 =	vld [tilespmem:s28+$0x0]  }
0xb1: {  	v5 =	vld [tilespmem:s28+$0x10]  }
0xb2: {  	v9 =	vld [tilespmem:s28+$0x20]  }
0xb3: {  	v10 =	vld [tilespmem:s28+$0xFFFFFFC0]  }
0xb4: {  	v11 =	vld [tilespmem:s28+$0xFFFFFFD0]  }
0xb5: {  	v13 =	vld [tilespmem:s28+$0xFFFFFFE0]  }
0xb6: {  	s25 =	simm.s32 $0x1A770;
	v14 =	vld [tilespmem:s28+$0xFFFFFFF0]  }
0xb7: {  	v6 =	vld [tilespmem:s25+$0xFFFFFFD0]  }
0xb8: {  	v7 =	vld [tilespmem:s25+$0xFFFFFFE0]  }
0xb9: {  	v8 =	vld [tilespmem:s25+$0xFFFFFF90]  }
0xba: {  	v12 =	vld [tilespmem:s25+$0xFFFFFFA0]  }
0xbb: {  	v15 =	vld [tilespmem:s25+$0xFFFFFFB0]  }
0xbc: {  	v16 =	vld [tilespmem:s25+$0xFFFFFFC0]  }
0xbd: {  	v17 =	vld [tilespmem:s25+$0xFFFFFFF0]  }
0xbe: {  	v18 =	vld [tilespmem:s25+$0x0]  }
0xbf: {  	v6 =	vld.idx.msk [tilespmem:v6+s3+$0x0], $0xffff  }
0xc0: {  	v19 =	vld.idx.msk [tilespmem:v7+s3+$0x0], $0xffff  }
0xc1: {  	v24 =	vld.idx.msk [tilespmem:v8+s3+$0x0], $0xffff  }
0xc2: {  	v23 =	vld.idx.msk [tilespmem:v12+s3+$0x0], $0xffff  }
0xc3: {  	v22 =	vld.idx.msk [tilespmem:v15+s3+$0x0], $0xffff  }
0xc4: {  	v20 =	vld.idx.msk [tilespmem:v16+s3+$0x0], $0xffff  }
0xc5: {  	v17 =	vld.idx.msk [tilespmem:v17+s3+$0x0], $0xffff  }
0xc6: {  	v16 =	vld.idx.msk [tilespmem:v18+s3+$0x0], $0xffff  }
0xc7: {  	s26 =	simm.s32 $0x0;
	v18 =	vld [tilespmem:s28+$0x30];
	s28 =	simm.s32 $0x1C840;
	v21 =	vsub.f32 v4, v6  }
.LBB2_14:
0xc8: {  	v4 =	vld [tilespmem:s28+$0x0];
	v6 =	vsub.f32 v10, v24;
	v7 =	vsub.f32 v5, v19  }
0xc9: {  	v8 =	vsub.f32 v11, v23;
	v12 =	vsub.f32 v13, v22;
	v5 =	vld [tilespmem:s28+$0x10]  }
0xca: {  	v13 =	vsub.f32 v14, v20;
	v19 =	vmul.f32 v21, v21;
	v15 =	vld [tilespmem:s28+$0x20];
	v7 =	vmul.f32 v7, v7  }
0xcb: {  	v6 =	vmul.f32 v6, v6;
	v8 =	vmul.f32 v8, v8;
	v9 =	vsub.f32 v9, v17;
	v10 =	vld [tilespmem:s28+$0xFFFFFFC0]  }
0xcc: {  	v12 =	vmul.f32 v12, v12;
	v17 =	vmul.f32 v13, v13;
	v11 =	vld [tilespmem:s28+$0xFFFFFFD0];
	v16 =	vsub.f32 v18, v16  }
0xcd: {  	v3 =	vadd.f32 v6, v3;
	v2 =	vadd.f32 v8, v2;
	v6 =	vmul.f32 v9, v9;
	v13 =	vld [tilespmem:s28+$0xFFFFFFE0]  }
0xce: {  	s25 =	sadd.s32 $0x80, s25;
	v1 =	vadd.f32 v12, v1;
	v0 =	vadd.f32 v17, v0;
	v14 =	vld [tilespmem:s28+$0xFFFFFFF0];
	v8 =	vmul.f32 v16, v16  }
0xcf: {  	v3 =	vadd.f32 v19, v3;
	v2 =	vadd.f32 v7, v2;
	v12 =	vld [tilespmem:s25+$0xFFFFFFD0];
	v9 =	vmov v15  }
0xd0: {  	v1 =	vadd.f32 v6, v1;
	v7 =	vld [tilespmem:s25+$0xFFFFFFE0];
	v0 =	vadd.f32 v8, v0  }
0xd1: {  	v6 =	vld [tilespmem:s25+$0xFFFFFF90]  }
0xd2: {  	v8 =	vld [tilespmem:s25+$0xFFFFFFA0]  }
0xd3: {  	v15 =	vld [tilespmem:s25+$0xFFFFFFB0]  }
0xd4: {  	s26 =	sadd.s32 $0x8, s26;
	v16 =	vld [tilespmem:s25+$0xFFFFFFC0]  }
0xd5: {  	p0 =	slt.u32 s26, $0xF8;
	v17 =	vld [tilespmem:s25+$0xFFFFFFF0]  }
0xd6: {  	v18 =	vld [tilespmem:s25+$0x0]  }
0xd7: {  	v12 =	vld.idx.msk [tilespmem:v12+s3+$0x0], $0xffff  }
0xd8: {  	v19 =	vld.idx.msk [tilespmem:v7+s3+$0x0], $0xffff  }
0xd9: {  	v24 =	vld.idx.msk [tilespmem:v6+s3+$0x0], $0xffff  }
0xda: {  	v23 =	vld.idx.msk [tilespmem:v8+s3+$0x0], $0xffff  }
.Ltmp6:
0xdb: {  	v22 =	vld.idx.msk [tilespmem:v15+s3+$0x0], $0xffff;
	(pc) =	sbr.rel @p0 .LBB2_14-.Ltmp6, $4  }
0xdc: {  	v20 =	vld.idx.msk [tilespmem:v16+s3+$0x0], $0xffff  }
0xdd: {  	v17 =	vld.idx.msk [tilespmem:v17+s3+$0x0], $0xffff  }
0xde: {  	v16 =	vld.idx.msk [tilespmem:v18+s3+$0x0], $0xffff  }
0xdf: {  	v21 =	vsub.f32 v4, v12;
	v18 =	vld [tilespmem:s28+$0x30];
	s28 =	sadd.s32 $0x100, s28  }
0xe0: {  	_ =	swait.ge [sflag:s21], $0x1000  }
0xe1: {  	[sflag:s21] =	ssyncset.done $0x0  }
0xe2: {  	s28 =	simm.s32 $0x1C7F0;
	[sflag:s21] =	ssyncadd.s32 $0xFFFFF000  }
0xe3: {  	v25 =	vld [tilespmem:s28+$0xFFFFFFD0]  }
0xe4: {  	v4 =	vld [tilespmem:s28+$0xFFFFFFE0]  }
0xe5: {  	v6 =	vld [tilespmem:s28+$0xFFFFFFF0]  }
0xe6: {  	v7 =	vld [tilespmem:s28+$0xFFFFFF90]  }
0xe7: {  	v8 =	vld [tilespmem:s28+$0xFFFFFFA0]  }
0xe8: {  	v12 =	vld [tilespmem:s28+$0xFFFFFFB0]  }
0xe9: {  	s25 =	simm.s32 $0x1B770;
	v15 =	vld [tilespmem:s28+$0xFFFFFFC0]  }
0xea: {  	v26 =	vld [tilespmem:s25+$0xFFFFFFD0]  }
0xeb: {  	v10 =	vsub.f32 v10, v24;
	v27 =	vld [tilespmem:s25+$0xFFFFFFE0]  }
0xec: {  	v11 =	vsub.f32 v11, v23;
	v14 =	vsub.f32 v14, v20;
	v28 =	vld [tilespmem:s25+$0xFFFFFF90]  }
0xed: {  	v19 =	vsub.f32 v5, v19;
	v63 =	vmul.f32 v10, v10;
	v9 =	vsub.f32 v9, v17;
	v29 =	vld [tilespmem:s25+$0xFFFFFFA0]  }
0xee: {  	v17 =	vmul.f32 v11, v11;
	v30 =	vld [tilespmem:s25+$0xFFFFFFB0];
	v20 =	vmul.f32 v14, v14;
	v16 =	vsub.f32 v18, v16  }
0xef: {  	v19 =	vmul.f32 v19, v19;
	v31 =	vld [tilespmem:s25+$0xFFFFFFC0];
	v3 =	vadd.f32 v63, v3;
	v18 =	vmul.f32 v21, v21  }
0xf0: {  	v32 =	vld [tilespmem:s25+$0xFFFFFFF0];
	v2 =	vadd.f32 v17, v2;
	v20 =	vadd.f32 v20, v0;
	v16 =	vmul.f32 v16, v16  }
0xf1: {  	v61 =	vld [tilespmem:s25+$0x0];
	v0 =	vadd.f32 v18, v3  }
0xf2: {  	v3 =	vadd.f32 v19, v2;
	v2 =	vadd.f32 v16, v20;
	v16 =	vld [tilespmem:s28+$0x0]  }
0xf3: {  	v62 =	vld.idx.msk [tilespmem:v26+s3+$0x0], $0xffff  }
0xf4: {  	v13 =	vsub.f32 v13, v22;
	v5 =	vld.idx.msk [tilespmem:v27+s3+$0x0], $0xffff  }
0xf5: {  	v10 =	vld.idx.msk [tilespmem:v28+s3+$0x0], $0xffff  }
0xf6: {  	v13 =	vmul.f32 v13, v13;
	v11 =	vld.idx.msk [tilespmem:v29+s3+$0x0], $0xffff  }
0xf7: {  	v14 =	vld.idx.msk [tilespmem:v30+s3+$0x0], $0xffff  }
0xf8: {  	v1 =	vadd.f32 v13, v1;
	v9 =	vmul.f32 v9, v9;
	v17 =	vld.idx.msk [tilespmem:v31+s3+$0x0], $0xffff  }
0xf9: {  	v13 =	vld.idx.msk [tilespmem:v32+s3+$0x0], $0xffff  }
0xfa: {  	s26 =	simm.s32 $0x0;
	v1 =	vadd.f32 v9, v1;
	s28 =	simm.s32 $0x1C8F0;
	v9 =	vld.idx.msk [tilespmem:v61+s3+$0x0], $0xffff;
	v18 =	vsub.f32 v25, v62  }
.LBB2_16:
0xfb: {  	v19 =	vld [tilespmem:s28+$0xFFFFFFD0];
	v10 =	vsub.f32 v7, v10;
	v5 =	vsub.f32 v4, v5  }
0xfc: {  	v8 =	vsub.f32 v8, v11;
	v11 =	vsub.f32 v12, v14;
	v4 =	vld [tilespmem:s28+$0xFFFFFFE0]  }
0xfd: {  	v12 =	vsub.f32 v15, v17;
	v17 =	vmul.f32 v18, v18;
	v14 =	vld [tilespmem:s28+$0xFFFFFFF0];
	v5 =	vmul.f32 v5, v5  }
0xfe: {  	v10 =	vmul.f32 v10, v10;
	v15 =	vmul.f32 v8, v8;
	v6 =	vsub.f32 v6, v13;
	v7 =	vld [tilespmem:s28+$0xFFFFFF90]  }
0xff: {  	v11 =	vmul.f32 v11, v11;
	v13 =	vmul.f32 v12, v12;
	v8 =	vld [tilespmem:s28+$0xFFFFFFA0];
	v9 =	vsub.f32 v16, v9  }
0x100: {  	v0 =	vadd.f32 v10, v0;
	v3 =	vadd.f32 v15, v3;
	v10 =	vmul.f32 v6, v6;
	v12 =	vld [tilespmem:s28+$0xFFFFFFB0]  }
0x101: {  	s25 =	sadd.s32 $0x80, s25;
	v1 =	vadd.f32 v11, v1;
	v2 =	vadd.f32 v13, v2;
	v15 =	vld [tilespmem:s28+$0xFFFFFFC0];
	v9 =	vmul.f32 v9, v9  }
0x102: {  	v0 =	vadd.f32 v17, v0;
	v3 =	vadd.f32 v5, v3;
	v11 =	vld [tilespmem:s25+$0xFFFFFFD0];
	v6 =	vmov v14  }
0x103: {  	v1 =	vadd.f32 v10, v1;
	v5 =	vld [tilespmem:s25+$0xFFFFFFE0];
	v2 =	vadd.f32 v9, v2  }
0x104: {  	v9 =	vld [tilespmem:s25+$0xFFFFFF90]  }
0x105: {  	v13 =	vld [tilespmem:s25+$0xFFFFFFA0]  }
0x106: {  	v14 =	vld [tilespmem:s25+$0xFFFFFFB0]  }
0x107: {  	s26 =	sadd.s32 $0x8, s26;
	v16 =	vld [tilespmem:s25+$0xFFFFFFC0]  }
0x108: {  	p0 =	slt.u32 s26, $0xF8;
	v18 =	vld [tilespmem:s25+$0xFFFFFFF0]  }
0x109: {  	v20 =	vld [tilespmem:s25+$0x0]  }
0x10a: {  	v21 =	vld.idx.msk [tilespmem:v11+s3+$0x0], $0xffff  }
0x10b: {  	v5 =	vld.idx.msk [tilespmem:v5+s3+$0x0], $0xffff  }
0x10c: {  	v10 =	vld.idx.msk [tilespmem:v9+s3+$0x0], $0xffff  }
0x10d: {  	v11 =	vld.idx.msk [tilespmem:v13+s3+$0x0], $0xffff  }
.Ltmp7:
0x10e: {  	v14 =	vld.idx.msk [tilespmem:v14+s3+$0x0], $0xffff;
	(pc) =	sbr.rel @p0 .LBB2_16-.Ltmp7, $4  }
0x10f: {  	v17 =	vld.idx.msk [tilespmem:v16+s3+$0x0], $0xffff  }
0x110: {  	v13 =	vld.idx.msk [tilespmem:v18+s3+$0x0], $0xffff  }
0x111: {  	v9 =	vld.idx.msk [tilespmem:v20+s3+$0x0], $0xffff  }
0x112: {  	v18 =	vsub.f32 v19, v21;
	v16 =	vld [tilespmem:s28+$0x0];
	s28 =	sadd.s32 $0x100, s28  }
0x113: {  	v7 =	vsub.f32 v7, v10;
	v4 =	vsub.f32 v4, v5  }
0x114: {  	v5 =	vsub.f32 v8, v11;
	v58 =	vsub.f32 v12, v14  }
0x115: {  	v59 =	vsub.f32 v15, v17;
	v60 =	vmul.f32 v18, v18;
	v4 =	vmul.f32 v4, v4  }
0x116: {  	v7 =	vmul.f32 v7, v7;
	v5 =	vmul.f32 v5, v5;
	v6 =	vsub.f32 v6, v13  }
0x117: {  	v8 =	vmul.f32 v58, v58;
	v10 =	vmul.f32 v59, v59;
	v9 =	vsub.f32 v16, v9  }
0x118: {  	v0 =	vadd.f32 v7, v0;
	v3 =	vadd.f32 v5, v3;
	v5 =	vmul.f32 v6, v6  }
0x119: {  	s25 =	simm.s32 $0x0;
	s26 =	simm.s32 $0x80;
	v61 =	vadd.f32 v8, v1;
	v62 =	vadd.f32 v10, v2;
	v63 =	vmul.f32 v9, v9  }
0x11a: {  	[tilespmem:s25], [sflag:$0x1] =	stream.strided.gather [hbm4b:s9+s17], $0x18700, s18, s17, $0x38;
	v0 =	vadd.f32 v60, v0;
	v1 =	vadd.f32 v4, v3;
	[tilespmem:$0x1E780] =	vst v63  }
0x11b: {  	s29 =	sadd.s32 $0x0, s10;
	s28 =	simm.s32 $0x1C800;
	s25 =	simm.s32 $0x1C700;
	v2 =	vadd.f32 v5, v61;
	v3 =	vadd.f32 v63, v62  }
.LBB2_18:
0x11c: {  	[tilespmem:s25], [sflag:$0x3] =	stream.linear.gather [hbm4b:s29+s3], $0x80, $0x38;
	[tilespmem:$0x1E780] =	vst v63  }
0x11d: {  	s29 =	smov.u32 s26;
	s25 =	smov.u32 s28;
	p0 =	sne.s32 s26, $0xF80  }
.Ltmp8:
0x11e: {  	s26 =	sadd.s32 $0x80, s26;
	(pc) =	sbr.rel @p0 .LBB2_18-.Ltmp8, $2  }
0x11f: {  	_ =	sdelay $0x2  }
0x120: {  	s28 =	sadd.s32 $0x100, s28;
	s29 =	sadd.s32 s29, s10  }
0x121: {  	[tilespmem:s25], [sflag:$0x3] =	stream.linear.gather [hbm4b:s29+s3], $0x80, $0x38;
	[tilespmem:$0x1E780] =	vst v63  }
0x122: {  	_ =	swait.ge [sflag:s20], $0x18700  }
0x123: {  	[sflag:s20] =	ssyncset.done $0x0  }
0x124: {  	[sflag:s20] =	ssyncadd.s32 $0xFFFE7900  }
0x125: {  	_ =	swait.ge [sflag:s21], $0x1000  }
0x126: {  	[sflag:s21] =	ssyncset.done $0x0  }
0x127: {  	s25 =	simm.s32 $0x0;
	s26 =	simm.s32 $0x1C780;
	[sflag:s21] =	ssyncadd.s32 $0xFFFFF000  }
.LBB2_20:
0x128: {  	p0 =	sne.s32 s25, $0xF80  }
.Ltmp9:
0x129: {  	_ = 	snop;
	(pc) =	sbr.rel @p0 .LBB2_20-.Ltmp9, $4  }
0x12a: {  	_ = 	snop  }
0x12b: {  	s28 =	sadd.s32 s25, s11  }
0x12c: {  	[tilespmem:s26], [sflag:$0x3] =	stream.linear.gather [hbm4b:s28+s3], $0x80, $0x38;
	[tilespmem:$0x1E780] =	vst v63  }
0x12d: {  	s25 =	sadd.s32 $0x80, s25;
	s26 =	sadd.s32 $0x100, s26  }
0x12e: {  	s28 =	simm.s32 $0x1C740  }
0x12f: {  	v12 =	vld [tilespmem:s28+$0x0]  }
0x130: {  	v4 =	vld [tilespmem:s28+$0x10]  }
0x131: {  	v5 =	vld [tilespmem:s28+$0x20]  }
0x132: {  	v6 =	vld [tilespmem:s28+$0xFFFFFFC0]  }
0x133: {  	v7 =	vld [tilespmem:s28+$0xFFFFFFD0]  }
0x134: {  	v8 =	vld [tilespmem:s28+$0xFFFFFFE0]  }
0x135: {  	s25 =	simm.s32 $0x18740;
	v9 =	vld [tilespmem:s28+$0xFFFFFFF0]  }
0x136: {  	v10 =	vld [tilespmem:s25+$0x0]  }
0x137: {  	v11 =	vld [tilespmem:s25+$0x10]  }
0x138: {  	v14 =	vld [tilespmem:s25+$0xFFFFFFC0]  }
0x139: {  	v15 =	vld [tilespmem:s25+$0xFFFFFFD0]  }
0x13a: {  	v16 =	vld [tilespmem:s25+$0xFFFFFFE0]  }
0x13b: {  	v18 =	vld [tilespmem:s25+$0xFFFFFFF0]  }
0x13c: {  	v19 =	vld [tilespmem:s25+$0x20]  }
0x13d: {  	v20 =	vld [tilespmem:s25+$0x30]  }
0x13e: {  	v21 =	vld.idx.msk [tilespmem:v10+s3+$0x0], $0xffff  }
0x13f: {  	v13 =	vld.idx.msk [tilespmem:v11+s3+$0x0], $0xffff  }
0x140: {  	v17 =	vld.idx.msk [tilespmem:v14+s3+$0x0], $0xffff  }
0x141: {  	v14 =	vld.idx.msk [tilespmem:v15+s3+$0x0], $0xffff  }
0x142: {  	v16 =	vld.idx.msk [tilespmem:v16+s3+$0x0], $0xffff  }
0x143: {  	v15 =	vld.idx.msk [tilespmem:v18+s3+$0x0], $0xffff  }
0x144: {  	v11 =	vld.idx.msk [tilespmem:v19+s3+$0x0], $0xffff  }
0x145: {  	v10 =	vld.idx.msk [tilespmem:v20+s3+$0x0], $0xffff  }
0x146: {  	s26 =	simm.s32 $0x0;
	v18 =	vsub.f32 v12, v21;
	v12 =	vld [tilespmem:s28+$0x30];
	s28 =	simm.s32 $0x1C840  }
.LBB2_22:
0x147: {  	v19 =	vld [tilespmem:s28+$0x0];
	v17 =	vsub.f32 v6, v17;
	v6 =	vsub.f32 v4, v13  }
0x148: {  	v7 =	vsub.f32 v7, v14;
	v8 =	vsub.f32 v8, v16;
	v4 =	vld [tilespmem:s28+$0x10]  }
0x149: {  	v9 =	vsub.f32 v9, v15;
	v14 =	vmul.f32 v18, v18;
	v13 =	vld [tilespmem:s28+$0x20];
	v15 =	vmul.f32 v6, v6  }
0x14a: {  	v16 =	vmul.f32 v17, v17;
	v17 =	vmul.f32 v7, v7;
	v5 =	vsub.f32 v5, v11;
	v6 =	vld [tilespmem:s28+$0xFFFFFFC0]  }
0x14b: {  	v11 =	vmul.f32 v8, v8;
	v18 =	vmul.f32 v9, v9;
	v7 =	vld [tilespmem:s28+$0xFFFFFFD0];
	v10 =	vsub.f32 v12, v10  }
0x14c: {  	v0 =	vadd.f32 v16, v0;
	v1 =	vadd.f32 v17, v1;
	v12 =	vmul.f32 v5, v5;
	v8 =	vld [tilespmem:s28+$0xFFFFFFE0]  }
0x14d: {  	s25 =	sadd.s32 $0x80, s25;
	v2 =	vadd.f32 v11, v2;
	v3 =	vadd.f32 v18, v3;
	v9 =	vld [tilespmem:s28+$0xFFFFFFF0];
	v10 =	vmul.f32 v10, v10  }
0x14e: {  	v0 =	vadd.f32 v14, v0;
	v1 =	vadd.f32 v15, v1;
	v11 =	vld [tilespmem:s25+$0x0];
	v5 =	vmov v13  }
0x14f: {  	v2 =	vadd.f32 v12, v2;
	v13 =	vld [tilespmem:s25+$0x10];
	v3 =	vadd.f32 v10, v3  }
0x150: {  	v10 =	vld [tilespmem:s25+$0xFFFFFFC0]  }
0x151: {  	v12 =	vld [tilespmem:s25+$0xFFFFFFD0]  }
0x152: {  	v15 =	vld [tilespmem:s25+$0xFFFFFFE0]  }
0x153: {  	s26 =	sadd.s32 $0x8, s26;
	v18 =	vld [tilespmem:s25+$0xFFFFFFF0]  }
0x154: {  	p0 =	slt.u32 s26, $0xF8;
	v20 =	vld [tilespmem:s25+$0x20]  }
0x155: {  	v21 =	vld [tilespmem:s25+$0x30]  }
0x156: {  	v22 =	vld.idx.msk [tilespmem:v11+s3+$0x0], $0xffff  }
0x157: {  	v13 =	vld.idx.msk [tilespmem:v13+s3+$0x0], $0xffff  }
0x158: {  	v17 =	vld.idx.msk [tilespmem:v10+s3+$0x0], $0xffff  }
0x159: {  	v14 =	vld.idx.msk [tilespmem:v12+s3+$0x0], $0xffff  }
.Ltmp10:
0x15a: {  	v16 =	vld.idx.msk [tilespmem:v15+s3+$0x0], $0xffff;
	(pc) =	sbr.rel @p0 .LBB2_22-.Ltmp10, $4  }
0x15b: {  	v15 =	vld.idx.msk [tilespmem:v18+s3+$0x0], $0xffff  }
0x15c: {  	v11 =	vld.idx.msk [tilespmem:v20+s3+$0x0], $0xffff  }
0x15d: {  	v10 =	vld.idx.msk [tilespmem:v21+s3+$0x0], $0xffff  }
0x15e: {  	v18 =	vsub.f32 v19, v22;
	v12 =	vld [tilespmem:s28+$0x30];
	s28 =	sadd.s32 $0x100, s28  }
0x15f: {  	v6 =	vsub.f32 v6, v17;
	v4 =	vsub.f32 v4, v13  }
0x160: {  	v7 =	vsub.f32 v7, v14;
	v8 =	vsub.f32 v8, v16  }
0x161: {  	v9 =	vsub.f32 v9, v15;
	v62 =	vmul.f32 v18, v18;
	v4 =	vmul.f32 v4, v4  }
0x162: {  	v6 =	vmul.f32 v6, v6;
	v7 =	vmul.f32 v7, v7;
	v5 =	vsub.f32 v5, v11  }
0x163: {  	v8 =	vmul.f32 v8, v8;
	v9 =	vmul.f32 v9, v9;
	v10 =	vsub.f32 v12, v10  }
0x164: {  	v0 =	vadd.f32 v6, v0;
	v1 =	vadd.f32 v7, v1;
	v5 =	vmul.f32 v5, v5  }
0x165: {  	_ =	swait.ge [sflag:s21], $0x1000;
	v2 =	vadd.f32 v8, v2;
	v3 =	vadd.f32 v9, v3;
	v63 =	vmul.f32 v10, v10  }
0x166: {  	[sflag:s21] =	ssyncset.done $0x0;
	v0 =	vadd.f32 v62, v0;
	v1 =	vadd.f32 v4, v1  }
0x167: {  	s25 =	simm.s32 $0x0;
	s26 =	simm.s32 $0x1C700;
	[sflag:s21] =	ssyncadd.s32 $0xFFFFF000;
	v2 =	vadd.f32 v5, v2;
	v3 =	vadd.f32 v63, v3  }
.LBB2_24:
0x168: {  	p0 =	sne.s32 s25, $0xF80  }
.Ltmp11:
0x169: {  	_ = 	snop;
	(pc) =	sbr.rel @p0 .LBB2_24-.Ltmp11, $4  }
0x16a: {  	_ = 	snop  }
0x16b: {  	s28 =	sadd.s32 s25, s12  }
0x16c: {  	[tilespmem:s26], [sflag:$0x3] =	stream.linear.gather [hbm4b:s28+s3], $0x80, $0x38;
	[tilespmem:$0x1E780] =	vst v63  }
0x16d: {  	s25 =	sadd.s32 $0x80, s25;
	s26 =	sadd.s32 $0x100, s26  }
0x16e: {  	s28 =	simm.s32 $0x1C7F0  }
0x16f: {  	v12 =	vld [tilespmem:s28+$0xFFFFFFD0]  }
0x170: {  	v4 =	vld [tilespmem:s28+$0xFFFFFFE0]  }
0x171: {  	v5 =	vld [tilespmem:s28+$0xFFFFFFF0]  }
0x172: {  	v6 =	vld [tilespmem:s28+$0xFFFFFF90]  }
0x173: {  	v7 =	vld [tilespmem:s28+$0xFFFFFFA0]  }
0x174: {  	v8 =	vld [tilespmem:s28+$0xFFFFFFB0]  }
0x175: {  	s25 =	simm.s32 $0x19770;
	v9 =	vld [tilespmem:s28+$0xFFFFFFC0]  }
0x176: {  	v10 =	vld [tilespmem:s25+$0xFFFFFFD0]  }
0x177: {  	v11 =	vld [tilespmem:s25+$0xFFFFFFE0]  }
0x178: {  	v14 =	vld [tilespmem:s25+$0xFFFFFF90]  }
0x179: {  	v15 =	vld [tilespmem:s25+$0xFFFFFFA0]  }
0x17a: {  	v16 =	vld [tilespmem:s25+$0xFFFFFFB0]  }
0x17b: {  	v18 =	vld [tilespmem:s25+$0xFFFFFFC0]  }
0x17c: {  	v19 =	vld [tilespmem:s25+$0xFFFFFFF0]  }
0x17d: {  	v20 =	vld [tilespmem:s25+$0x0]  }
0x17e: {  	v21 =	vld.idx.msk [tilespmem:v10+s3+$0x0], $0xffff  }
0x17f: {  	v13 =	vld.idx.msk [tilespmem:v11+s3+$0x0], $0xffff  }
0x180: {  	v17 =	vld.idx.msk [tilespmem:v14+s3+$0x0], $0xffff  }
0x181: {  	v14 =	vld.idx.msk [tilespmem:v15+s3+$0x0], $0xffff  }
0x182: {  	v16 =	vld.idx.msk [tilespmem:v16+s3+$0x0], $0xffff  }
0x183: {  	v15 =	vld.idx.msk [tilespmem:v18+s3+$0x0], $0xffff  }
0x184: {  	v11 =	vld.idx.msk [tilespmem:v19+s3+$0x0], $0xffff  }
0x185: {  	v10 =	vld.idx.msk [tilespmem:v20+s3+$0x0], $0xffff  }
0x186: {  	s26 =	simm.s32 $0x0;
	v18 =	vsub.f32 v12, v21;
	v12 =	vld [tilespmem:s28+$0x0];
	s28 =	simm.s32 $0x1C8F0  }
.LBB2_26:
0x187: {  	v19 =	vld [tilespmem:s28+$0xFFFFFFD0];
	v17 =	vsub.f32 v6, v17;
	v6 =	vsub.f32 v4, v13  }
0x188: {  	v7 =	vsub.f32 v7, v14;
	v8 =	vsub.f32 v8, v16;
	v4 =	vld [tilespmem:s28+$0xFFFFFFE0]  }
0x189: {  	v9 =	vsub.f32 v9, v15;
	v14 =	vmul.f32 v18, v18;
	v13 =	vld [tilespmem:s28+$0xFFFFFFF0];
	v15 =	vmul.f32 v6, v6  }
0x18a: {  	v16 =	vmul.f32 v17, v17;
	v17 =	vmul.f32 v7, v7;
	v5 =	vsub.f32 v5, v11;
	v6 =	vld [tilespmem:s28+$0xFFFFFF90]  }
0x18b: {  	v11 =	vmul.f32 v8, v8;
	v18 =	vmul.f32 v9, v9;
	v7 =	vld [tilespmem:s28+$0xFFFFFFA0];
	v10 =	vsub.f32 v12, v10  }
0x18c: {  	v0 =	vadd.f32 v16, v0;
	v1 =	vadd.f32 v17, v1;
	v12 =	vmul.f32 v5, v5;
	v8 =	vld [tilespmem:s28+$0xFFFFFFB0]  }
0x18d: {  	s25 =	sadd.s32 $0x80, s25;
	v2 =	vadd.f32 v11, v2;
	v3 =	vadd.f32 v18, v3;
	v9 =	vld [tilespmem:s28+$0xFFFFFFC0];
	v10 =	vmul.f32 v10, v10  }
0x18e: {  	v0 =	vadd.f32 v14, v0;
	v1 =	vadd.f32 v15, v1;
	v11 =	vld [tilespmem:s25+$0xFFFFFFD0];
	v5 =	vmov v13  }
0x18f: {  	v2 =	vadd.f32 v12, v2;
	v13 =	vld [tilespmem:s25+$0xFFFFFFE0];
	v3 =	vadd.f32 v10, v3  }
0x190: {  	v10 =	vld [tilespmem:s25+$0xFFFFFF90]  }
0x191: {  	v12 =	vld [tilespmem:s25+$0xFFFFFFA0]  }
0x192: {  	v15 =	vld [tilespmem:s25+$0xFFFFFFB0]  }
0x193: {  	s26 =	sadd.s32 $0x8, s26;
	v18 =	vld [tilespmem:s25+$0xFFFFFFC0]  }
0x194: {  	p0 =	slt.u32 s26, $0xF8;
	v20 =	vld [tilespmem:s25+$0xFFFFFFF0]  }
0x195: {  	v21 =	vld [tilespmem:s25+$0x0]  }
0x196: {  	v22 =	vld.idx.msk [tilespmem:v11+s3+$0x0], $0xffff  }
0x197: {  	v13 =	vld.idx.msk [tilespmem:v13+s3+$0x0], $0xffff  }
0x198: {  	v17 =	vld.idx.msk [tilespmem:v10+s3+$0x0], $0xffff  }
0x199: {  	v14 =	vld.idx.msk [tilespmem:v12+s3+$0x0], $0xffff  }
.Ltmp12:
0x19a: {  	v16 =	vld.idx.msk [tilespmem:v15+s3+$0x0], $0xffff;
	(pc) =	sbr.rel @p0 .LBB2_26-.Ltmp12, $4  }
0x19b: {  	v15 =	vld.idx.msk [tilespmem:v18+s3+$0x0], $0xffff  }
0x19c: {  	v11 =	vld.idx.msk [tilespmem:v20+s3+$0x0], $0xffff  }
0x19d: {  	v10 =	vld.idx.msk [tilespmem:v21+s3+$0x0], $0xffff  }
0x19e: {  	v18 =	vsub.f32 v19, v22;
	v12 =	vld [tilespmem:s28+$0x0];
	s28 =	sadd.s32 $0x100, s28  }
0x19f: {  	v6 =	vsub.f32 v6, v17;
	v4 =	vsub.f32 v4, v13  }
0x1a0: {  	v7 =	vsub.f32 v7, v14;
	v8 =	vsub.f32 v8, v16  }
0x1a1: {  	v9 =	vsub.f32 v9, v15;
	v60 =	vmul.f32 v18, v18;
	v4 =	vmul.f32 v4, v4  }
0x1a2: {  	v6 =	vmul.f32 v6, v6;
	v7 =	vmul.f32 v7, v7;
	v5 =	vsub.f32 v5, v11  }
0x1a3: {  	v8 =	vmul.f32 v8, v8;
	v9 =	vmul.f32 v9, v9;
	v10 =	vsub.f32 v12, v10  }
0x1a4: {  	v0 =	vadd.f32 v6, v0;
	v1 =	vadd.f32 v7, v1;
	v5 =	vmul.f32 v5, v5  }
0x1a5: {  	_ =	swait.ge [sflag:s21], $0x1000;
	v61 =	vadd.f32 v8, v2;
	v62 =	vadd.f32 v9, v3;
	v63 =	vmul.f32 v10, v10  }
0x1a6: {  	[sflag:s21] =	ssyncset.done $0x0;
	v3 =	vadd.f32 v60, v0;
	v2 =	vadd.f32 v4, v1  }
0x1a7: {  	s25 =	simm.s32 $0x0;
	s26 =	simm.s32 $0x1C780;
	[sflag:s21] =	ssyncadd.s32 $0xFFFFF000;
	v1 =	vadd.f32 v5, v61;
	v0 =	vadd.f32 v63, v62  }
.LBB2_28:
0x1a8: {  	p0 =	sne.s32 s25, $0xF80  }
.Ltmp13:
0x1a9: {  	_ = 	snop;
	(pc) =	sbr.rel @p0 .LBB2_28-.Ltmp13, $4  }
0x1aa: {  	_ = 	snop  }
0x1ab: {  	s28 =	sadd.s32 s25, s13  }
0x1ac: {  	[tilespmem:s26], [sflag:$0x3] =	stream.linear.gather [hbm4b:s28+s3], $0x80, $0x38;
	[tilespmem:$0x1E780] =	vst v63  }
0x1ad: {  	s25 =	sadd.s32 $0x80, s25;
	s26 =	sadd.s32 $0x100, s26  }
0x1ae: {  	s28 =	simm.s32 $0x1C740  }
0x1af: {  	v4 =	vld [tilespmem:s28+$0x0]  }
0x1b0: {  	v5 =	vld [tilespmem:s28+$0x10]  }
0x1b1: {  	v9 =	vld [tilespmem:s28+$0x20]  }
0x1b2: {  	v10 =	vld [tilespmem:s28+$0xFFFFFFC0]  }
0x1b3: {  	v11 =	vld [tilespmem:s28+$0xFFFFFFD0]  }
0x1b4: {  	v13 =	vld [tilespmem:s28+$0xFFFFFFE0]  }
0x1b5: {  	s25 =	simm.s32 $0x1A770;
	v14 =	vld [tilespmem:s28+$0xFFFFFFF0]  }
0x1b6: {  	v6 =	vld [tilespmem:s25+$0xFFFFFFD0]  }
0x1b7: {  	v7 =	vld [tilespmem:s25+$0xFFFFFFE0]  }
0x1b8: {  	v8 =	vld [tilespmem:s25+$0xFFFFFF90]  }
0x1b9: {  	v12 =	vld [tilespmem:s25+$0xFFFFFFA0]  }
0x1ba: {  	v15 =	vld [tilespmem:s25+$0xFFFFFFB0]  }
0x1bb: {  	v16 =	vld [tilespmem:s25+$0xFFFFFFC0]  }
0x1bc: {  	v17 =	vld [tilespmem:s25+$0xFFFFFFF0]  }
0x1bd: {  	v18 =	vld [tilespmem:s25+$0x0]  }
0x1be: {  	v6 =	vld.idx.msk [tilespmem:v6+s3+$0x0], $0xffff  }
0x1bf: {  	v19 =	vld.idx.msk [tilespmem:v7+s3+$0x0], $0xffff  }
0x1c0: {  	v24 =	vld.idx.msk [tilespmem:v8+s3+$0x0], $0xffff  }
0x1c1: {  	v23 =	vld.idx.msk [tilespmem:v12+s3+$0x0], $0xffff  }
0x1c2: {  	v22 =	vld.idx.msk [tilespmem:v15+s3+$0x0], $0xffff  }
0x1c3: {  	v20 =	vld.idx.msk [tilespmem:v16+s3+$0x0], $0xffff  }
0x1c4: {  	v17 =	vld.idx.msk [tilespmem:v17+s3+$0x0], $0xffff  }
0x1c5: {  	v16 =	vld.idx.msk [tilespmem:v18+s3+$0x0], $0xffff  }
0x1c6: {  	s26 =	simm.s32 $0x0;
	v18 =	vld [tilespmem:s28+$0x30];
	s28 =	simm.s32 $0x1C840;
	v21 =	vsub.f32 v4, v6  }
.LBB2_30:
0x1c7: {  	v4 =	vld [tilespmem:s28+$0x0];
	v6 =	vsub.f32 v10, v24;
	v7 =	vsub.f32 v5, v19  }
0x1c8: {  	v8 =	vsub.f32 v11, v23;
	v12 =	vsub.f32 v13, v22;
	v5 =	vld [tilespmem:s28+$0x10]  }
0x1c9: {  	v13 =	vsub.f32 v14, v20;
	v19 =	vmul.f32 v21, v21;
	v15 =	vld [tilespmem:s28+$0x20];
	v7 =	vmul.f32 v7, v7  }
0x1ca: {  	v6 =	vmul.f32 v6, v6;
	v8 =	vmul.f32 v8, v8;
	v9 =	vsub.f32 v9, v17;
	v10 =	vld [tilespmem:s28+$0xFFFFFFC0]  }
0x1cb: {  	v12 =	vmul.f32 v12, v12;
	v17 =	vmul.f32 v13, v13;
	v11 =	vld [tilespmem:s28+$0xFFFFFFD0];
	v16 =	vsub.f32 v18, v16  }
0x1cc: {  	v3 =	vadd.f32 v6, v3;
	v2 =	vadd.f32 v8, v2;
	v6 =	vmul.f32 v9, v9;
	v13 =	vld [tilespmem:s28+$0xFFFFFFE0]  }
0x1cd: {  	s25 =	sadd.s32 $0x80, s25;
	v1 =	vadd.f32 v12, v1;
	v0 =	vadd.f32 v17, v0;
	v14 =	vld [tilespmem:s28+$0xFFFFFFF0];
	v8 =	vmul.f32 v16, v16  }
0x1ce: {  	v3 =	vadd.f32 v19, v3;
	v2 =	vadd.f32 v7, v2;
	v12 =	vld [tilespmem:s25+$0xFFFFFFD0];
	v9 =	vmov v15  }
0x1cf: {  	v1 =	vadd.f32 v6, v1;
	v7 =	vld [tilespmem:s25+$0xFFFFFFE0];
	v0 =	vadd.f32 v8, v0  }
0x1d0: {  	v6 =	vld [tilespmem:s25+$0xFFFFFF90]  }
0x1d1: {  	v8 =	vld [tilespmem:s25+$0xFFFFFFA0]  }
0x1d2: {  	v15 =	vld [tilespmem:s25+$0xFFFFFFB0]  }
0x1d3: {  	s26 =	sadd.s32 $0x8, s26;
	v16 =	vld [tilespmem:s25+$0xFFFFFFC0]  }
0x1d4: {  	p0 =	slt.u32 s26, $0xF8;
	v17 =	vld [tilespmem:s25+$0xFFFFFFF0]  }
0x1d5: {  	v18 =	vld [tilespmem:s25+$0x0]  }
0x1d6: {  	v12 =	vld.idx.msk [tilespmem:v12+s3+$0x0], $0xffff  }
0x1d7: {  	v19 =	vld.idx.msk [tilespmem:v7+s3+$0x0], $0xffff  }
0x1d8: {  	v24 =	vld.idx.msk [tilespmem:v6+s3+$0x0], $0xffff  }
0x1d9: {  	v23 =	vld.idx.msk [tilespmem:v8+s3+$0x0], $0xffff  }
.Ltmp14:
0x1da: {  	v22 =	vld.idx.msk [tilespmem:v15+s3+$0x0], $0xffff;
	(pc) =	sbr.rel @p0 .LBB2_30-.Ltmp14, $4  }
0x1db: {  	v20 =	vld.idx.msk [tilespmem:v16+s3+$0x0], $0xffff  }
0x1dc: {  	v17 =	vld.idx.msk [tilespmem:v17+s3+$0x0], $0xffff  }
0x1dd: {  	v16 =	vld.idx.msk [tilespmem:v18+s3+$0x0], $0xffff  }
0x1de: {  	v21 =	vsub.f32 v4, v12;
	v18 =	vld [tilespmem:s28+$0x30];
	s28 =	sadd.s32 $0x100, s28  }
0x1df: {  	_ =	swait.ge [sflag:s21], $0x1000  }
0x1e0: {  	[sflag:s21] =	ssyncset.done $0x0  }
0x1e1: {  	s28 =	simm.s32 $0x1C7F0;
	[sflag:s21] =	ssyncadd.s32 $0xFFFFF000  }
0x1e2: {  	v25 =	vld [tilespmem:s28+$0xFFFFFFD0]  }
0x1e3: {  	v4 =	vld [tilespmem:s28+$0xFFFFFFE0]  }
0x1e4: {  	v6 =	vld [tilespmem:s28+$0xFFFFFFF0]  }
0x1e5: {  	v7 =	vld [tilespmem:s28+$0xFFFFFF90]  }
0x1e6: {  	v8 =	vld [tilespmem:s28+$0xFFFFFFA0]  }
0x1e7: {  	v12 =	vld [tilespmem:s28+$0xFFFFFFB0]  }
0x1e8: {  	s25 =	simm.s32 $0x1B770;
	v15 =	vld [tilespmem:s28+$0xFFFFFFC0]  }
0x1e9: {  	v26 =	vld [tilespmem:s25+$0xFFFFFFD0]  }
0x1ea: {  	v27 =	vld [tilespmem:s25+$0xFFFFFFE0]  }
0x1eb: {  	v10 =	vsub.f32 v10, v24;
	v28 =	vld [tilespmem:s25+$0xFFFFFF90]  }
0x1ec: {  	v14 =	vsub.f32 v14, v20;
	v29 =	vld [tilespmem:s25+$0xFFFFFFA0]  }
0x1ed: {  	v63 =	vmul.f32 v10, v10;
	v30 =	vld [tilespmem:s25+$0xFFFFFFB0]  }
0x1ee: {  	v31 =	vld [tilespmem:s25+$0xFFFFFFC0];
	v20 =	vmul.f32 v14, v14  }
0x1ef: {  	v32 =	vld [tilespmem:s25+$0xFFFFFFF0];
	v16 =	vsub.f32 v18, v16;
	v3 =	vadd.f32 v63, v3;
	v18 =	vmul.f32 v21, v21  }
0x1f0: {  	v61 =	vld [tilespmem:s25+$0x0]  }
0x1f1: {  	v20 =	vadd.f32 v20, v0;
	v0 =	vadd.f32 v18, v3;
	v3 =	vmul.f32 v16, v16;
	v16 =	vld [tilespmem:s28+$0x0]  }
0x1f2: {  	v11 =	vsub.f32 v11, v23;
	v13 =	vsub.f32 v13, v22;
	v62 =	vld.idx.msk [tilespmem:v26+s3+$0x0], $0xffff  }
0x1f3: {  	v19 =	vsub.f32 v5, v19;
	v5 =	vld.idx.msk [tilespmem:v27+s3+$0x0], $0xffff  }
0x1f4: {  	v9 =	vsub.f32 v9, v17;
	v17 =	vmul.f32 v11, v11;
	v13 =	vmul.f32 v13, v13;
	v10 =	vld.idx.msk [tilespmem:v28+s3+$0x0], $0xffff  }
0x1f5: {  	v19 =	vmul.f32 v19, v19;
	v11 =	vld.idx.msk [tilespmem:v29+s3+$0x0], $0xffff  }
0x1f6: {  	v2 =	vadd.f32 v17, v2;
	v1 =	vadd.f32 v13, v1;
	v9 =	vmul.f32 v9, v9;
	v14 =	vld.idx.msk [tilespmem:v30+s3+$0x0], $0xffff  }
0x1f7: {  	v17 =	vld.idx.msk [tilespmem:v31+s3+$0x0], $0xffff  }
0x1f8: {  	v2 =	vadd.f32 v19, v2;
	v1 =	vadd.f32 v9, v1;
	v13 =	vld.idx.msk [tilespmem:v32+s3+$0x0], $0xffff  }
0x1f9: {  	s26 =	simm.s32 $0x0;
	s28 =	simm.s32 $0x1C8F0;
	v3 =	vadd.f32 v3, v20;
	v9 =	vld.idx.msk [tilespmem:v61+s3+$0x0], $0xffff;
	v18 =	vsub.f32 v25, v62  }
.LBB2_32:
0x1fa: {  	v19 =	vld [tilespmem:s28+$0xFFFFFFD0];
	v10 =	vsub.f32 v7, v10;
	v5 =	vsub.f32 v4, v5  }
0x1fb: {  	v8 =	vsub.f32 v8, v11;
	v11 =	vsub.f32 v12, v14;
	v4 =	vld [tilespmem:s28+$0xFFFFFFE0]  }
0x1fc: {  	v12 =	vsub.f32 v15, v17;
	v17 =	vmul.f32 v18, v18;
	v14 =	vld [tilespmem:s28+$0xFFFFFFF0];
	v5 =	vmul.f32 v5, v5  }
0x1fd: {  	v10 =	vmul.f32 v10, v10;
	v15 =	vmul.f32 v8, v8;
	v6 =	vsub.f32 v6, v13;
	v7 =	vld [tilespmem:s28+$0xFFFFFF90]  }
0x1fe: {  	v11 =	vmul.f32 v11, v11;
	v13 =	vmul.f32 v12, v12;
	v8 =	vld [tilespmem:s28+$0xFFFFFFA0];
	v9 =	vsub.f32 v16, v9  }
0x1ff: {  	v0 =	vadd.f32 v10, v0;
	v2 =	vadd.f32 v15, v2;
	v10 =	vmul.f32 v6, v6;
	v12 =	vld [tilespmem:s28+$0xFFFFFFB0]  }
0x200: {  	s25 =	sadd.s32 $0x80, s25;
	v1 =	vadd.f32 v11, v1;
	v3 =	vadd.f32 v13, v3;
	v15 =	vld [tilespmem:s28+$0xFFFFFFC0];
	v9 =	vmul.f32 v9, v9  }
0x201: {  	v0 =	vadd.f32 v17, v0;
	v2 =	vadd.f32 v5, v2;
	v11 =	vld [tilespmem:s25+$0xFFFFFFD0];
	v6 =	vmov v14  }
0x202: {  	v1 =	vadd.f32 v10, v1;
	v5 =	vld [tilespmem:s25+$0xFFFFFFE0];
	v3 =	vadd.f32 v9, v3  }
0x203: {  	v9 =	vld [tilespmem:s25+$0xFFFFFF90]  }
0x204: {  	v13 =	vld [tilespmem:s25+$0xFFFFFFA0]  }
0x205: {  	v14 =	vld [tilespmem:s25+$0xFFFFFFB0]  }
0x206: {  	s26 =	sadd.s32 $0x8, s26;
	v16 =	vld [tilespmem:s25+$0xFFFFFFC0]  }
0x207: {  	p0 =	slt.u32 s26, $0xF8;
	v18 =	vld [tilespmem:s25+$0xFFFFFFF0]  }
0x208: {  	v20 =	vld [tilespmem:s25+$0x0]  }
0x209: {  	v21 =	vld.idx.msk [tilespmem:v11+s3+$0x0], $0xffff  }
0x20a: {  	v5 =	vld.idx.msk [tilespmem:v5+s3+$0x0], $0xffff  }
0x20b: {  	v10 =	vld.idx.msk [tilespmem:v9+s3+$0x0], $0xffff  }
0x20c: {  	v11 =	vld.idx.msk [tilespmem:v13+s3+$0x0], $0xffff  }
.Ltmp15:
0x20d: {  	v14 =	vld.idx.msk [tilespmem:v14+s3+$0x0], $0xffff;
	(pc) =	sbr.rel @p0 .LBB2_32-.Ltmp15, $4  }
0x20e: {  	v17 =	vld.idx.msk [tilespmem:v16+s3+$0x0], $0xffff  }
0x20f: {  	v13 =	vld.idx.msk [tilespmem:v18+s3+$0x0], $0xffff  }
0x210: {  	v9 =	vld.idx.msk [tilespmem:v20+s3+$0x0], $0xffff  }
0x211: {  	v18 =	vsub.f32 v19, v21;
	v16 =	vld [tilespmem:s28+$0x0];
	s28 =	sadd.s32 $0x100, s28  }
0x212: {  	v7 =	vsub.f32 v7, v10;
	v4 =	vsub.f32 v4, v5  }
0x213: {  	v58 =	vsub.f32 v8, v11;
	v59 =	vsub.f32 v12, v14  }
0x214: {  	v60 =	vsub.f32 v15, v17;
	v61 =	vmul.f32 v18, v18;
	v4 =	vmul.f32 v4, v4  }
0x215: {  	v7 =	vmul.f32 v7, v7;
	v5 =	vmul.f32 v58, v58;
	v6 =	vsub.f32 v6, v13  }
0x216: {  	v8 =	vmul.f32 v59, v59;
	v10 =	vmul.f32 v60, v60;
	v9 =	vsub.f32 v16, v9  }
0x217: {  	v0 =	vadd.f32 v7, v0;
	v2 =	vadd.f32 v5, v2;
	v62 =	vmul.f32 v6, v6  }
0x218: {  	v1 =	vadd.f32 v8, v1;
	v3 =	vadd.f32 v10, v3;
	v63 =	vmul.f32 v9, v9  }
0x219: {  	v0 =	vadd.f32 v61, v0;
	v2 =	vadd.f32 v4, v2  }
0x21a: {  	v1 =	vadd.f32 v62, v1;
	v3 =	vadd.f32 v63, v3;
	_ =	sdelay $0x1  }
0x21b: {  	v0 =	vadd.f32 v2, v0;
	v1 =	vadd.f32 v3, v1;
	_ =	sdelay $0x1  }
0x21c: {  	v0 =	vadd.f32 v1, v0;
	_ =	sdelay $0x1  }
0x21d: {  	s24 =	sadd.s32 $0x1, s24;
	v0 =	vmul.f32 $3.051757810e-05, v0  }
0x21e: {  	p0 =	sne.s32 s24, s15  }
.Ltmp16:
0x21f: {  	[tilespmem:$0x1E700] =	vst v0;
	(pc) =	sbr.rel @p0 .LBB2_1-.Ltmp16, $4  }
0x220: {  	[hbm4b:s14+s3] =	stream.linear.scatter [tilespmem:s22], [sflag:$0x4], $0x80, $0x38;
	[tilespmem:$0x1E780] =	vst v63  }
0x221: {  	_ =	swait.ge [sflag:s23], $0x80  }
0x222: {  	[sflag:s23] =	ssyncset.done $0x0  }
0x223: {  	[sflag:s23] =	ssyncadd.s32 $0xFFFFFF80  }
0x224: {  	_ =	sfence.sel $0x180000  }
0x225: {  	[bflag:$0x0] =	sbarrier.arrive $0xFFFF  }
0x226: {  	p0 =	sne.s32 s2, $0x0;
	_ =	strace $0x90000047  }
0x227: {  	s0 =	sadd.s32 @!p0 $0x100000, s0;
	[bflag:$0x2] =	sbarrier.arrive $0xFFFF  }
0x228: {  	[sflag:s0] =	ssyncadd.tile.s32 @!p0 $0x1;
	_ =	shalt  }
.Lfunc_end2:
_tile_overlayer_lowered:
.L_overlay_start_2:
0x229: {  	(tag) =	ssettag $0x2  }
0x22a: {  	s0 =	rddreg [dreg:$0x0];
	s2 =	stileid.u32  }
0x22b: {  	s1 =	rddreg [dreg:$0x1];
	p0 =	sne.s32 s2, $0x0  }
0x22c: {  	s3 =	rddreg [dreg:$0x2];
	[bflag:$0x3] =	sbarrier.arrive $0xFFFF;
	s2 =	simm.s32 @!p0 $0x1C04  }
0x22d: {  	[timem:s3], [sflag:s2] =	dma.local @!p0 [hbm:s0], s1  }
0x22e: {  	s0 =	simm.s32 @!p0 $0x4  }
0x22f: {  	_ =	swait.ge @!p0 [sflag:s0], s1  }
0x230: {  	s1 =	ssub.s32 @!p0 $0x0, s1;
	[sflag:s0] =	ssyncset.done @!p0 $0x0  }
0x231: {  	[sflag:s0] =	ssyncadd.s32 @!p0 s1  }
0x232: {  	[bflag:$0x3] =	sbarrier.arrive $0xFFFF  }
0x233: {  	_ =	shalt  }

</sc_bundles>
